<compile_context>
chip_gen: v7x
topology: tpu7x:2x2x1
jax: 0.10.2.dev20260603
libtpu: 0.0.44.dev20260713+nightly
codegen_flags: <defaults>
</compile_context>

<pallas_src>
import functools

import jax
import jax.numpy as jnp
from jax import lax
from jax.experimental import pallas as pl
from jax.experimental.pallas import tpu as pltpu
from jax.experimental.pallas import tpu_sc as plsc

N_ATOM = 10000
N_BOND = 320000
D_BOND = 128
D_GLOBAL = 64
NC = 2
NS = 16
NW = NC * NS
E_PER_TILE = N_BOND // NW
CHUNK = 80
N_CHUNKS = E_PER_TILE // CHUNK
A_PAD = 10240
A_PER_TILE = A_PAD // NS
ZROWS = 40

CQ = 128
CR = 80
CE = 2048
CN = -(-N_BOND // CE)

_sc_mesh = plsc.VectorSubcoreMesh(
    core_axis_name="c", subcore_axis_name="s", num_cores=NC, num_subcores=NS)


@functools.partial(
    pl.kernel,
    out_type=jax.ShapeDtypeStruct((NC, A_PAD, D_BOND), jnp.float32),
    mesh=_sc_mesh,
    scratch_types=(
        pltpu.VMEM((CHUNK,), jnp.int32),
        pltpu.VMEM((CHUNK,), jnp.int32),
        pltpu.VMEM((CHUNK,), jnp.int32),
        pltpu.VMEM((CHUNK,), jnp.int32),
        pltpu.VMEM((CHUNK,), jnp.int32),
        pltpu.VMEM((CHUNK,), jnp.int32),
        pltpu.VMEM((CHUNK,), jnp.int32),
        pltpu.VMEM((CHUNK,), jnp.int32),
        pltpu.VMEM((CHUNK,), jnp.int32),
        pltpu.VMEM((CHUNK, D_BOND), jnp.float32),
        pltpu.VMEM((CHUNK, D_BOND), jnp.float32),
        pltpu.VMEM((CHUNK, D_BOND), jnp.float32),
        pltpu.VMEM((ZROWS, D_BOND), jnp.float32),
        pltpu.VMEM_SHARED((A_PAD, D_BOND), jnp.float32),
        pltpu.SemaphoreType.DMA,
        pltpu.SemaphoreType.DMA,
        pltpu.SemaphoreType.DMA,
        pltpu.SemaphoreType.DMA,
        pltpu.SemaphoreType.DMA,
        pltpu.SemaphoreType.DMA,
        pltpu.SemaphoreType.DMA,
        pltpu.SemaphoreType.DMA,
        pltpu.SemaphoreType.DMA,
    ),
)
def _sc_segment_sum(bond_hbm, src_hbm, dst_hbm, sum_out,
                    si0, si1, si2, di0, di1, di2, sd0, sd1, sd2,
                    rows0, rows1, rows2, zrow, acc_sp,
                    smi0, smi1, smi2, smg0, smg1, smg2, sms0, sms1, sms2):
    c = lax.axis_index("c")
    s = lax.axis_index("s")
    w = s * NC + c
    tile_base = w * E_PER_TILE

    si = (si0, si1, si2)
    di = (di0, di1, di2)
    sd = (sd0, sd1, sd2)
    rows = (rows0, rows1, rows2)
    smi = (smi0, smi1, smi2)
    smg = (smg0, smg1, smg2)
    sms = (sms0, sms1, sms2)

    z16 = jnp.zeros((16,), jnp.float32)

    def zero_feat(i, carry):
        zrow[i // 8, pl.ds((i % 8) * 16, 16)] = z16
        return carry
    lax.fori_loop(0, ZROWS * 8, zero_feat, 0)

    def zero_stripe(j, carry):
        pltpu.sync_copy(zrow, acc_sp.at[pl.ds(s * A_PER_TILE + j * ZROWS, ZROWS)])
        return carry
    lax.fori_loop(0, A_PER_TILE // ZROWS, zero_stripe, 0)

    plsc.subcore_barrier()

    def idx_start(j, b):
        base = tile_base + j * CHUNK
        pltpu.async_copy(src_hbm.at[pl.ds(base, CHUNK)], si[b], smi[b])
        pltpu.async_copy(dst_hbm.at[pl.ds(base, CHUNK)], di[b], smi[b])

    def idx_wait(j, b):
        base = tile_base + j * CHUNK
        pltpu.make_async_copy(src_hbm.at[pl.ds(base, CHUNK)], si[b], smi[b]).wait()
        pltpu.make_async_copy(dst_hbm.at[pl.ds(base, CHUNK)], di[b], smi[b]).wait()

    def gather_start(b):
        pltpu.async_copy(bond_hbm.at[si[b]], rows[b], smg[b])

    def gather_wait(b):
        pltpu.make_async_copy(bond_hbm.at[si[b]], rows[b], smg[b]).wait()

    def scatter_start(b):
        for k in range(CHUNK // 16):
            sd[b][pl.ds(k * 16, 16)] = di[b][pl.ds(k * 16, 16)]
        pltpu.async_copy(rows[b], acc_sp.at[sd[b]], sms[b], add=True)

    def scatter_wait(b):
        pltpu.make_async_copy(rows[b], acc_sp.at[sd[b]], sms[b]).wait()

    idx_start(0, 0)
    idx_wait(0, 0)
    idx_start(1, 1)
    gather_start(0)
    idx_wait(1, 1)
    idx_start(2, 2)
    gather_start(1)
    gather_wait(0)
    scatter_start(0)

    def section(j, b, bp1, bp2):
        idx_wait(j + 1, bp1)

        @pl.when(j + 2 < N_CHUNKS)
        def _():
            idx_start(j + 2, bp2)

        @pl.when(j + 1 < N_CHUNKS)
        def _():
            gather_start(bp1)
        gather_wait(b)
        scatter_wait(bp2)
        scatter_start(b)

    def triple(k, carry):
        section(3 * k + 1, 1, 2, 0)
        section(3 * k + 2, 2, 0, 1)
        section(3 * k + 3, 0, 1, 2)
        return carry
    lax.fori_loop(0, (N_CHUNKS - 2) // 3, triple, 0)

    gather_wait(1)
    scatter_wait(0)
    scatter_start(1)
    scatter_wait(1)

    plsc.subcore_barrier()

    pltpu.sync_copy(acc_sp.at[pl.ds(s * A_PER_TILE, A_PER_TILE)],
                    sum_out.at[c, pl.ds(s * A_PER_TILE, A_PER_TILE)])


def _count_body(dst_ref, out_ref):
    d = dst_ref[0, 0, :]
    q = d // CR
    r = d - q * CR
    ohq = (q[:, None] == lax.broadcasted_iota(jnp.int32, (CE, CQ), 1)
           ).astype(jnp.float32)
    ohr = (r[:, None] == lax.broadcasted_iota(jnp.int32, (CE, CR), 1)
           ).astype(jnp.float32)
    part = lax.dot_general(ohq, ohr, (((0,), (0,)), ((), ())),
                           preferred_element_type=jnp.float32)

    @pl.when(pl.program_id(0) == 0)
    def _():
        out_ref[...] = jnp.zeros_like(out_ref)

    out_ref[...] += part


def _tc_counts(dst3):
    return pl.pallas_call(
        _count_body,
        grid=(CN,),
        in_specs=[pl.BlockSpec((1, 1, CE), lambda i: (i, 0, 0))],
        out_specs=pl.BlockSpec((CQ, CR), lambda i: (0, 0)),
        out_shape=jax.ShapeDtypeStruct((CQ, CR), jnp.float32),
    )(dst3)


def _softplus(x):
    return jnp.maximum(x, 0.0) + jnp.log1p(jnp.exp(-jnp.abs(x)))


def _mlp_body(master_ref, sums_ref, cnts_ref, g2a_ref, glob_ref,
              w1_ref, b1_ref, w2_ref, b2_ref, w3_ref, b3_ref, out_ref):
    f32 = jnp.float32
    blk = master_ref.shape[0]
    cnt = cnts_ref[...]
    mean_b = (sums_ref[0] + sums_ref[1]) / jnp.maximum(cnt, 1.0)
    g = g2a_ref[:, 0]
    onehot = (g[:, None] == lax.broadcasted_iota(jnp.int32, (blk, D_GLOBAL), 1)
              ).astype(f32)
    mean_g = jnp.dot(onehot, glob_ref[...], preferred_element_type=f32)
    h = jnp.dot(master_ref[...], w1_ref[0:128, :], preferred_element_type=f32)
    h += jnp.dot(mean_b, w1_ref[128:256, :], preferred_element_type=f32)
    h += jnp.dot(mean_g, w1_ref[256:320, :], preferred_element_type=f32)
    h = _softplus(h + b1_ref[...])
    h = _softplus(jnp.dot(h, w2_ref[...], preferred_element_type=f32) + b2_ref[...])
    out_ref[...] = jnp.dot(h, w3_ref[...], preferred_element_type=f32) + b3_ref[...]


def _tc_mlp(master, sums, cnts, g2a2d, globalf, W1, b1, W2, b2, W3, b3):
    B = 2000
    grid = (N_ATOM // B,)
    fixed = lambda i: (0, 0)
    return pl.pallas_call(
        _mlp_body,
        grid=grid,
        in_specs=[
            pl.BlockSpec((B, 128), lambda i: (i, 0)),
            pl.BlockSpec((NC, B, 128), lambda i: (0, i, 0)),
            pl.BlockSpec((B, 1), lambda i: (i, 0)),
            pl.BlockSpec((B, 1), lambda i: (i, 0)),
            pl.BlockSpec((D_GLOBAL, D_GLOBAL), fixed),
            pl.BlockSpec((320, 256), fixed),
            pl.BlockSpec((1, 256), fixed),
            pl.BlockSpec((256, 256), fixed),
            pl.BlockSpec((1, 256), fixed),
            pl.BlockSpec((256, 128), fixed),
            pl.BlockSpec((1, 128), fixed),
        ],
        out_specs=pl.BlockSpec((B, 128), lambda i: (i, 0)),
        out_shape=jax.ShapeDtypeStruct((N_ATOM, 128), jnp.float32),
    )(master, sums, cnts, g2a2d, globalf,
      W1, b1.reshape(1, -1), W2, b2.reshape(1, -1), W3, b3.reshape(1, -1))


def kernel(master_feats, bond_feats, global_feats, b2a_src, b2a_dst,
           g2a_src, g2a_dst, W1, b1, W2, b2, W3, b3):
    del g2a_dst
    b2a_src = b2a_src.astype(jnp.int32)
    b2a_dst = b2a_dst.astype(jnp.int32)
    sums = _sc_segment_sum(bond_feats, b2a_src, b2a_dst)
    dst_pad = jnp.concatenate(
        [b2a_dst, jnp.full((CN * CE - N_BOND,), A_PAD, jnp.int32)])
    cnt_qr = _tc_counts(dst_pad.reshape(CN, 1, CE))
    cnts = cnt_qr.reshape(CQ * CR, 1)[:N_ATOM]
    g2a2d = g2a_src.astype(jnp.int32).reshape(N_ATOM, 1)
    return _tc_mlp(master_feats, sums, cnts, g2a2d, global_feats,
                   W1, b1, W2, b2, W3, b3)

# --- scband reference (transcript-rebuilt; emitter-appended) ---
"""Pipeline reference for scband-atom-update-layer-75788992906319 (READ-ONLY COPY).

The authoritative reference and input builder live on the scoring server;
editing this copy changes nothing except your own understanding.
"""

import jax, jax.numpy as jnp
import numpy as np

N_ATOM = 10000
N_BOND = 320000
N_GLOBAL = 64
E_B2A = 320000
E_G2A = 10000
D_ATOM = 128
D_BOND = 128
D_GLOBAL = 64
IN_SIZE = D_ATOM + D_BOND + D_GLOBAL  # 320
H1, H2, H3 = 256, 256, 128


def setup_inputs(seed: int = 0) -> dict:
    key = jax.random.key(seed)
    ks = jax.random.split(key, 12)
    master_feats = jax.random.normal(ks[0], (N_ATOM, D_ATOM), dtype=jnp.float32)
    bond_feats = jax.random.normal(ks[1], (N_BOND, D_BOND), dtype=jnp.float32)
    global_feats = jax.random.normal(ks[2], (N_GLOBAL, D_GLOBAL), dtype=jnp.float32)
    b2a_src = jax.random.randint(ks[3], (E_B2A,), 0, N_BOND)
    b2a_dst = jax.random.randint(ks[4], (E_B2A,), 0, N_ATOM)
    g2a_src = jax.random.randint(ks[5], (E_G2A,), 0, N_GLOBAL)
    g2a_dst = jnp.arange(E_G2A, dtype=jnp.int32)
    W1 = jax.random.normal(ks[6], (IN_SIZE, H1), dtype=jnp.float32) * 0.05
    b1 = jnp.zeros((H1,), dtype=jnp.float32)
    W2 = jax.random.normal(ks[7], (H1, H2), dtype=jnp.float32) * 0.05
    b2 = jnp.zeros((H2,), dtype=jnp.float32)
    W3 = jax.random.normal(ks[8], (H2, H3), dtype=jnp.float32) * 0.05
    b3 = jnp.zeros((H3,), dtype=jnp.float32)
    return {
        'master_feats': master_feats,
        'bond_feats': bond_feats,
        'global_feats': global_feats,
        'b2a_src': b2a_src,
        'b2a_dst': b2a_dst,
        'g2a_src': g2a_src,
        'g2a_dst': g2a_dst,
        'W1': W1, 'b1': b1, 'W2': W2, 'b2': b2, 'W3': W3, 'b3': b3,
    }


def _mean_aggregate(src_feats, src_idx, dst_idx, num_dst):
    # msg_fn: m = src['ft'] (gather); fn.mean('m','mean') -> segment mean over dst
    msgs = jnp.take(src_feats, src_idx, axis=0)
    summed = jax.ops.segment_sum(msgs, dst_idx, num_segments=num_dst)
    cnt = jax.ops.segment_sum(jnp.ones((dst_idx.shape[0],), dtype=src_feats.dtype), dst_idx, num_segments=num_dst)
    return summed / jnp.maximum(cnt, 1.0)[:, None]


def reference(master_feats, bond_feats, global_feats, b2a_src, b2a_dst, g2a_src, g2a_dst, W1, b1, W2, b2, W3, b3):
    n_atom = master_feats.shape[0]
    ft = master_feats
    # etype ('bond','b2a','atom'): update_all(msg, mean, apply: ft = cat(ft, mean))
    mean_b = _mean_aggregate(bond_feats, b2a_src, b2a_dst, n_atom)
    ft = jnp.concatenate([ft, mean_b], axis=1)
    # etype ('global','g2a','atom')
    mean_g = _mean_aggregate(global_feats, g2a_src, g2a_dst, n_atom)
    ft = jnp.concatenate([ft, mean_g], axis=1)
    # LinearN: 3 fc layers, Softplus on first two, Identity on last
    h = jax.nn.softplus(ft @ W1 + b1)
    h = jax.nn.softplus(h @ W2 + b2)
    out = h @ W3 + b3
    return out

if __name__ == "__main__":
    import jax
    _d = setup_inputs()
    print(jax.jit(kernel)(*tuple(_d.values())))

</pallas_src>

<mosaic_0001>
#map = affine_map<(d0, d1) -> (0, 0)>
#map1 = affine_map<(d0, d1) -> (0)>
#map2 = affine_map<(d0, d1) -> (0, 0, 0)>
module attributes {stable_mosaic.version = 14 : i64} {
  func.func @_sc_segment_sum(%arg0: i32, %arg1: i32, %arg2: memref<320000x128xf32, #tpu.memory_space<hbm>>, %arg3: memref<320000xi32, #tpu.memory_space<hbm>>, %arg4: memref<320000xi32, #tpu.memory_space<hbm>>, %arg5: memref<2x10240x128xf32, #tpu.memory_space<hbm>>, %arg6: memref<80xi32, #tpu.memory_space<vmem>>, %arg7: memref<80xi32, #tpu.memory_space<vmem>>, %arg8: memref<80xi32, #tpu.memory_space<vmem>>, %arg9: memref<80xi32, #tpu.memory_space<vmem>>, %arg10: memref<80xi32, #tpu.memory_space<vmem>>, %arg11: memref<80xi32, #tpu.memory_space<vmem>>, %arg12: memref<80xi32, #tpu.memory_space<vmem>>, %arg13: memref<80xi32, #tpu.memory_space<vmem>>, %arg14: memref<80xi32, #tpu.memory_space<vmem>>, %arg15: memref<80x128xf32, #tpu.memory_space<vmem>>, %arg16: memref<80x128xf32, #tpu.memory_space<vmem>>, %arg17: memref<80x128xf32, #tpu.memory_space<vmem>>, %arg18: memref<40x128xf32, #tpu.memory_space<vmem>>, %arg19: memref<10240x128xf32, #tpu.memory_space<vmem_shared>>, %arg20: memref<!tpu.dma_semaphore, #tpu.memory_space<semaphore_mem>>, %arg21: memref<!tpu.dma_semaphore, #tpu.memory_space<semaphore_mem>>, %arg22: memref<!tpu.dma_semaphore, #tpu.memory_space<semaphore_mem>>, %arg23: memref<!tpu.dma_semaphore, #tpu.memory_space<semaphore_mem>>, %arg24: memref<!tpu.dma_semaphore, #tpu.memory_space<semaphore_mem>>, %arg25: memref<!tpu.dma_semaphore, #tpu.memory_space<semaphore_mem>>, %arg26: memref<!tpu.dma_semaphore, #tpu.memory_space<semaphore_mem>>, %arg27: memref<!tpu.dma_semaphore, #tpu.memory_space<semaphore_mem>>, %arg28: memref<!tpu.dma_semaphore, #tpu.memory_space<semaphore_mem>>) attributes {dimension_semantics = [#tpu.dimension_semantics<core_parallel>, #tpu.dimension_semantics<subcore_parallel>], iteration_bounds = array<i64: 2, 16>, scalar_prefetch = 0 : i64, scratch_operands = 23 : i64, tpu.core_type = #tpu.core_type<sc_vector_subcore>, window_params = [{transform_indices = #map}, {transform_indices = #map1}, {transform_indices = #map1}, {transform_indices = #map2}]} {
    %mul3A = arith.constant 2 : i32
    %mul3A_0 = arith.muli %arg1, %mul3A : i32
    %add3A = arith.addi %mul3A_0, %arg0 : i32
    %mul3A_1 = arith.constant 10000 : i32
    %mul3A_2 = arith.muli %add3A, %mul3A_1 : i32
    %broadcast_in_dim3A = arith.constant 0.000000e+00 : f32
    %broadcast_in_dim3A_3 = vector.broadcast %broadcast_in_dim3A : f32 to vector<16xf32>
    %scan3A = arith.constant 0 : i32
    %scan3A_4 = arith.constant 0 : i32
    %scan3A_5 = arith.constant 320 : i32
    %scan3A_6 = arith.addi %scan3A_4, %scan3A_5 : i32
    %scan3A_7 = arith.constant 1 : i32
    scf.for %scan3A_146 = %scan3A_4 to %scan3A_6 step %scan3A_7  : i32 {
      %jit3A = arith.constant 8 : i32
      %div3A = arith.divsi %scan3A_146, %jit3A : i32
      %sign3A = arith.constant 0 : i32
      %sign3A_147 = arith.cmpi sgt, %scan3A_146, %sign3A : i32
      %sign3A_148 = arith.extui %sign3A_147 : i1 to i32
      %sign3A_149 = arith.constant 0 : i32
      %sign3A_150 = arith.cmpi slt, %scan3A_146, %sign3A_149 : i32
      %sign3A_151 = arith.extui %sign3A_150 : i1 to i32
      %sign3A_152 = arith.subi %sign3A_148, %sign3A_151 : i32
      %sign3A_153 = arith.constant 0 : i32
      %sign3A_154 = arith.cmpi sgt, %jit3A, %sign3A_153 : i32
      %sign3A_155 = arith.extui %sign3A_154 : i1 to i32
      %sign3A_156 = arith.constant 0 : i32
      %sign3A_157 = arith.cmpi slt, %jit3A, %sign3A_156 : i32
      %sign3A_158 = arith.extui %sign3A_157 : i1 to i32
      %sign3A_159 = arith.subi %sign3A_155, %sign3A_158 : i32
      %ne3A = arith.cmpi ne, %sign3A_152, %sign3A_159 : i32
      %rem3A = arith.remsi %scan3A_146, %jit3A : i32
      %ne3A_160 = arith.constant 0 : i32
      %ne3A_161 = arith.cmpi ne, %rem3A, %ne3A_160 : i32
      %and3A = arith.andi %ne3A, %ne3A_161 : i1
      %sub3A = arith.constant 1 : i32
      %sub3A_162 = arith.subi %div3A, %sub3A : i32
      %select_n3A = arith.select %and3A, %sub3A_162, %div3A : i32
      %jit3A_163 = arith.constant 8 : i32
      %eq3A = arith.constant 0 : i32
      %eq3A_164 = arith.cmpi eq, %jit3A_163, %eq3A : i32
      %jit3A_165 = arith.constant 1 : i32
      %select_n3A_166 = arith.select %eq3A_164, %jit3A_165, %jit3A_163 : i32
      %rem3A_167 = arith.remsi %scan3A_146, %select_n3A_166 : i32
      %ne3A_168 = arith.constant 0 : i32
      %ne3A_169 = arith.cmpi ne, %rem3A_167, %ne3A_168 : i32
      %lt3A = arith.constant 0 : i32
      %lt3A_170 = arith.cmpi slt, %rem3A_167, %lt3A : i32
      %lt3A_171 = arith.constant 0 : i32
      %lt3A_172 = arith.cmpi slt, %select_n3A_166, %lt3A_171 : i32
      %ne3A_173 = arith.xori %lt3A_170, %lt3A_172 : i1
      %and3A_174 = arith.andi %ne3A_173, %ne3A_169 : i1
      %add3A_175 = arith.addi %rem3A_167, %select_n3A_166 : i32
      %select_n3A_176 = arith.select %and3A_174, %add3A_175, %rem3A_167 : i32
      %mul3A_177 = arith.constant 16 : i32
      %mul3A_178 = arith.muli %select_n3A_176, %mul3A_177 : i32
      %swap3A_179 = arith.index_cast %select_n3A : i32 to index
      %swap3A_180 = arith.index_cast %mul3A_178 : i32 to index
      %swap3A_181 = tpu.vector_load %arg18[%swap3A_179, %swap3A_180] {strides = array<i32>} : memref<40x128xf32, #tpu.memory_space<vmem>>, vector<1x16xf32>,
      %swap3A_182 = vector.shape_cast %swap3A_181 : vector<1x16xf32> to vector<16xf32>
      %swap3A_183 = vector.shape_cast %broadcast_in_dim3A_3 : vector<16xf32> to vector<1x16xf32>
      tpu.vector_store %arg18[%swap3A_179, %swap3A_180], %swap3A_183 {strides = array<i32>} : memref<40x128xf32, #tpu.memory_space<vmem>>, vector<1x16xf32>,
    }
    %scan3A_8 = arith.constant 320 : i32
    %scan3A_9 = arith.constant 0 : i32
    %scan3A_10 = arith.constant 0 : i32
    %scan3A_11 = arith.constant 16 : i32
    %scan3A_12 = arith.addi %scan3A_10, %scan3A_11 : i32
    %scan3A_13 = arith.constant 1 : i32
    scf.for %scan3A_146 = %scan3A_10 to %scan3A_12 step %scan3A_13  : i32 {
      %mul3A_147 = arith.constant 640 : i32
      %mul3A_148 = arith.muli %arg1, %mul3A_147 : i32
      %mul3A_149 = arith.constant 40 : i32
      %mul3A_150 = arith.muli %scan3A_146, %mul3A_149 : i32
      %add3A_151 = arith.addi %mul3A_148, %mul3A_150 : i32
      "tpu.region"() ({
        %run_scoped3A = tpu.sem_alloc : memref<!tpu.dma_semaphore, #tpu.memory_space<semaphore_mem>>
        %dma_start3A_152 = arith.constant 0 : i32
        %dma_start3A_153 = tpu.memref_slice %arg19[%add3A_151, %dma_start3A_152] : memref<10240x128xf32, #tpu.memory_space<vmem_shared>> -> memref<40x128xf32, #tpu.memory_space<vmem_shared>>
        %dma_start3A_154 = arith.constant 0 : i32
        %dma_start3A_155 = tpu.memref_slice %arg19[%add3A_151, %dma_start3A_154] : memref<10240x128xf32, #tpu.memory_space<vmem_shared>> -> memref<40x128xf32, #tpu.memory_space<vmem_shared>>
        tpu.enqueue_dma source(%arg18 : memref<40x128xf32, #tpu.memory_space<vmem>>) target(%dma_start3A_155 : memref<40x128xf32, #tpu.memory_space<vmem_shared>>) target_semaphore(%run_scoped3A : memref<!tpu.dma_semaphore, #tpu.memory_space<semaphore_mem>>)
        %dma_wait3A_156 = arith.constant 0 : i32
        %dma_wait3A_157 = tpu.memref_slice %arg19[%add3A_151, %dma_wait3A_156] : memref<10240x128xf32, #tpu.memory_space<vmem_shared>> -> memref<40x128xf32, #tpu.memory_space<vmem_shared>>
        %dma_wait3A_158 = arith.constant 0 : i32
        %dma_wait3A_159 = tpu.memref_slice %arg19[%add3A_151, %dma_wait3A_158] : memref<10240x128xf32, #tpu.memory_space<vmem_shared>> -> memref<40x128xf32, #tpu.memory_space<vmem_shared>>
        tpu.wait_dma2 semaphore(%run_scoped3A : memref<!tpu.dma_semaphore, #tpu.memory_space<semaphore_mem>>) src(%arg18 : memref<40x128xf32, #tpu.memory_space<vmem>>) dst(%dma_wait3A_159 : memref<40x128xf32, #tpu.memory_space<vmem_shared>>)
        tpu.yield
      }) : () -> ()
    }
    %scan3A_14 = arith.constant 16 : i32
    %barrier3A = arith.constant 0 : index
    tpu.barrier barrier_id(%barrier3A)
    %add3A_15 = arith.constant 0 : i32
    %add3A_16 = arith.addi %mul3A_2, %add3A_15 : i32
    %dma_start3A = tpu.memref_slice %arg3[%add3A_16] : memref<320000xi32, #tpu.memory_space<hbm>> -> memref<80xi32, #tpu.memory_space<hbm>>
    %dma_start3A_17 = tpu.memref_slice %arg3[%add3A_16] : memref<320000xi32, #tpu.memory_space<hbm>> -> memref<80xi32, #tpu.memory_space<hbm>>
    tpu.enqueue_dma source(%dma_start3A_17 : memref<80xi32, #tpu.memory_space<hbm>>) target(%arg6 : memref<80xi32, #tpu.memory_space<vmem>>) target_semaphore(%arg20 : memref<!tpu.dma_semaphore, #tpu.memory_space<semaphore_mem>>)
    %dma_start3A_18 = tpu.memref_slice %arg4[%add3A_16] : memref<320000xi32, #tpu.memory_space<hbm>> -> memref<80xi32, #tpu.memory_space<hbm>>
    %dma_start3A_19 = tpu.memref_slice %arg4[%add3A_16] : memref<320000xi32, #tpu.memory_space<hbm>> -> memref<80xi32, #tpu.memory_space<hbm>>
    tpu.enqueue_dma source(%dma_start3A_19 : memref<80xi32, #tpu.memory_space<hbm>>) target(%arg9 : memref<80xi32, #tpu.memory_space<vmem>>) target_semaphore(%arg20 : memref<!tpu.dma_semaphore, #tpu.memory_space<semaphore_mem>>)
    %add3A_20 = arith.constant 0 : i32
    %add3A_21 = arith.addi %mul3A_2, %add3A_20 : i32
    %dma_wait3A = tpu.memref_slice %arg3[%add3A_21] : memref<320000xi32, #tpu.memory_space<hbm>> -> memref<80xi32, #tpu.memory_space<hbm>>
    %dma_wait3A_22 = tpu.memref_slice %arg3[%add3A_21] : memref<320000xi32, #tpu.memory_space<hbm>> -> memref<80xi32, #tpu.memory_space<hbm>>
    tpu.wait_dma2 semaphore(%arg20 : memref<!tpu.dma_semaphore, #tpu.memory_space<semaphore_mem>>) src(%dma_wait3A_22 : memref<80xi32, #tpu.memory_space<hbm>>) dst(%arg6 : memref<80xi32, #tpu.memory_space<vmem>>)
    %dma_wait3A_23 = tpu.memref_slice %arg4[%add3A_21] : memref<320000xi32, #tpu.memory_space<hbm>> -> memref<80xi32, #tpu.memory_space<hbm>>
    %dma_wait3A_24 = tpu.memref_slice %arg4[%add3A_21] : memref<320000xi32, #tpu.memory_space<hbm>> -> memref<80xi32, #tpu.memory_space<hbm>>
    tpu.wait_dma2 semaphore(%arg20 : memref<!tpu.dma_semaphore, #tpu.memory_space<semaphore_mem>>) src(%dma_wait3A_24 : memref<80xi32, #tpu.memory_space<hbm>>) dst(%arg9 : memref<80xi32, #tpu.memory_space<vmem>>)
    %add3A_25 = arith.constant 80 : i32
    %add3A_26 = arith.addi %mul3A_2, %add3A_25 : i32
    %dma_start3A_27 = tpu.memref_slice %arg3[%add3A_26] : memref<320000xi32, #tpu.memory_space<hbm>> -> memref<80xi32, #tpu.memory_space<hbm>>
    %dma_start3A_28 = tpu.memref_slice %arg3[%add3A_26] : memref<320000xi32, #tpu.memory_space<hbm>> -> memref<80xi32, #tpu.memory_space<hbm>>
    tpu.enqueue_dma source(%dma_start3A_28 : memref<80xi32, #tpu.memory_space<hbm>>) target(%arg7 : memref<80xi32, #tpu.memory_space<vmem>>) target_semaphore(%arg21 : memref<!tpu.dma_semaphore, #tpu.memory_space<semaphore_mem>>)
    %dma_start3A_29 = tpu.memref_slice %arg4[%add3A_26] : memref<320000xi32, #tpu.memory_space<hbm>> -> memref<80xi32, #tpu.memory_space<hbm>>
    %dma_start3A_30 = tpu.memref_slice %arg4[%add3A_26] : memref<320000xi32, #tpu.memory_space<hbm>> -> memref<80xi32, #tpu.memory_space<hbm>>
    tpu.enqueue_dma source(%dma_start3A_30 : memref<80xi32, #tpu.memory_space<hbm>>) target(%arg10 : memref<80xi32, #tpu.memory_space<vmem>>) target_semaphore(%arg21 : memref<!tpu.dma_semaphore, #tpu.memory_space<semaphore_mem>>)
    %dma_start3A_31 = arith.constant 0 : i32
    %dma_start3A_32 = arith.constant 0 : i32
    %dma_start3A_33 = tpu.memref_slice %arg2[%dma_start3A_31, %dma_start3A_32] : memref<320000x128xf32, #tpu.memory_space<hbm>> -> memref<320000x128xf32, #tpu.memory_space<hbm>>
    tpu.enqueue_indirect_dma source(%dma_start3A_33 : memref<320000x128xf32, #tpu.memory_space<hbm>>) target(%arg15 : memref<80x128xf32, #tpu.memory_space<vmem>>) offsets(%arg6 : memref<80xi32, #tpu.memory_space<vmem>>) semaphore(%arg23 : memref<!tpu.dma_semaphore, #tpu.memory_space<semaphore_mem>>)
    %add3A_34 = arith.constant 80 : i32
    %add3A_35 = arith.addi %mul3A_2, %add3A_34 : i32
    %dma_wait3A_36 = tpu.memref_slice %arg3[%add3A_35] : memref<320000xi32, #tpu.memory_space<hbm>> -> memref<80xi32, #tpu.memory_space<hbm>>
    %dma_wait3A_37 = tpu.memref_slice %arg3[%add3A_35] : memref<320000xi32, #tpu.memory_space<hbm>> -> memref<80xi32, #tpu.memory_space<hbm>>
    tpu.wait_dma2 semaphore(%arg21 : memref<!tpu.dma_semaphore, #tpu.memory_space<semaphore_mem>>) src(%dma_wait3A_37 : memref<80xi32, #tpu.memory_space<hbm>>) dst(%arg7 : memref<80xi32, #tpu.memory_space<vmem>>)
    %dma_wait3A_38 = tpu.memref_slice %arg4[%add3A_35] : memref<320000xi32, #tpu.memory_space<hbm>> -> memref<80xi32, #tpu.memory_space<hbm>>
    %dma_wait3A_39 = tpu.memref_slice %arg4[%add3A_35] : memref<320000xi32, #tpu.memory_space<hbm>> -> memref<80xi32, #tpu.memory_space<hbm>>
    tpu.wait_dma2 semaphore(%arg21 : memref<!tpu.dma_semaphore, #tpu.memory_space<semaphore_mem>>) src(%dma_wait3A_39 : memref<80xi32, #tpu.memory_space<hbm>>) dst(%arg10 : memref<80xi32, #tpu.memory_space<vmem>>)
    %add3A_40 = arith.constant 160 : i32
    %add3A_41 = arith.addi %mul3A_2, %add3A_40 : i32
    %dma_start3A_42 = tpu.memref_slice %arg3[%add3A_41] : memref<320000xi32, #tpu.memory_space<hbm>> -> memref<80xi32, #tpu.memory_space<hbm>>
    %dma_start3A_43 = tpu.memref_slice %arg3[%add3A_41] : memref<320000xi32, #tpu.memory_space<hbm>> -> memref<80xi32, #tpu.memory_space<hbm>>
    tpu.enqueue_dma source(%dma_start3A_43 : memref<80xi32, #tpu.memory_space<hbm>>) target(%arg8 : memref<80xi32, #tpu.memory_space<vmem>>) target_semaphore(%arg22 : memref<!tpu.dma_semaphore, #tpu.memory_space<semaphore_mem>>)
    %dma_start3A_44 = tpu.memref_slice %arg4[%add3A_41] : memref<320000xi32, #tpu.memory_space<hbm>> -> memref<80xi32, #tpu.memory_space<hbm>>
    %dma_start3A_45 = tpu.memref_slice %arg4[%add3A_41] : memref<320000xi32, #tpu.memory_space<hbm>> -> memref<80xi32, #tpu.memory_space<hbm>>
    tpu.enqueue_dma source(%dma_start3A_45 : memref<80xi32, #tpu.memory_space<hbm>>) target(%arg11 : memref<80xi32, #tpu.memory_space<vmem>>) target_semaphore(%arg22 : memref<!tpu.dma_semaphore, #tpu.memory_space<semaphore_mem>>)
    %dma_start3A_46 = arith.constant 0 : i32
    %dma_start3A_47 = arith.constant 0 : i32
    %dma_start3A_48 = tpu.memref_slice %arg2[%dma_start3A_46, %dma_start3A_47] : memref<320000x128xf32, #tpu.memory_space<hbm>> -> memref<320000x128xf32, #tpu.memory_space<hbm>>
    tpu.enqueue_indirect_dma source(%dma_start3A_48 : memref<320000x128xf32, #tpu.memory_space<hbm>>) target(%arg16 : memref<80x128xf32, #tpu.memory_space<vmem>>) offsets(%arg7 : memref<80xi32, #tpu.memory_space<vmem>>) semaphore(%arg24 : memref<!tpu.dma_semaphore, #tpu.memory_space<semaphore_mem>>)
    %dma_wait3A_49 = arith.constant 0 : i32
    %dma_wait3A_50 = arith.constant 0 : i32
    %dma_wait3A_51 = tpu.memref_slice %arg2[%dma_wait3A_49, %dma_wait3A_50] : memref<320000x128xf32, #tpu.memory_space<hbm>> -> memref<320000x128xf32, #tpu.memory_space<hbm>>
    tpu.wait_indirect_dma semaphore(%arg23 : memref<!tpu.dma_semaphore, #tpu.memory_space<semaphore_mem>>) src(%dma_wait3A_51 : memref<320000x128xf32, #tpu.memory_space<hbm>>) dst(%arg15 : memref<80x128xf32, #tpu.memory_space<vmem>>)
    %get3A = arith.constant 0 : index
    %get3A_52 = tpu.vector_load %arg9[%get3A] {strides = array<i32>} : memref<80xi32, #tpu.memory_space<vmem>>, vector<16xi32>,
    %get3A_53 = vector.shape_cast %get3A_52 : vector<16xi32> to vector<16xi32>
    %swap3A = arith.constant 0 : index
    %swap3A_54 = tpu.vector_load %arg12[%swap3A] {strides = array<i32>} : memref<80xi32, #tpu.memory_space<vmem>>, vector<16xi32>,
    %swap3A_55 = vector.shape_cast %swap3A_54 : vector<16xi32> to vector<16xi32>
    %swap3A_56 = vector.shape_cast %get3A_53 : vector<16xi32> to vector<16xi32>
    tpu.vector_store %arg12[%swap3A], %swap3A_56 {strides = array<i32>} : memref<80xi32, #tpu.memory_space<vmem>>, vector<16xi32>,
    %get3A_57 = arith.constant 16 : index
    %get3A_58 = tpu.vector_load %arg9[%get3A_57] {strides = array<i32>} : memref<80xi32, #tpu.memory_space<vmem>>, vector<16xi32>,
    %get3A_59 = vector.shape_cast %get3A_58 : vector<16xi32> to vector<16xi32>
    %swap3A_60 = arith.constant 16 : index
    %swap3A_61 = tpu.vector_load %arg12[%swap3A_60] {strides = array<i32>} : memref<80xi32, #tpu.memory_space<vmem>>, vector<16xi32>,
    %swap3A_62 = vector.shape_cast %swap3A_61 : vector<16xi32> to vector<16xi32>
    %swap3A_63 = vector.shape_cast %get3A_59 : vector<16xi32> to vector<16xi32>
    tpu.vector_store %arg12[%swap3A_60], %swap3A_63 {strides = array<i32>} : memref<80xi32, #tpu.memory_space<vmem>>, vector<16xi32>,
    %get3A_64 = arith.constant 32 : index
    %get3A_65 = tpu.vector_load %arg9[%get3A_64] {strides = array<i32>} : memref<80xi32, #tpu.memory_space<vmem>>, vector<16xi32>,
    %get3A_66 = vector.shape_cast %get3A_65 : vector<16xi32> to vector<16xi32>
    %swap3A_67 = arith.constant 32 : index
    %swap3A_68 = tpu.vector_load %arg12[%swap3A_67] {strides = array<i32>} : memref<80xi32, #tpu.memory_space<vmem>>, vector<16xi32>,
    %swap3A_69 = vector.shape_cast %swap3A_68 : vector<16xi32> to vector<16xi32>
    %swap3A_70 = vector.shape_cast %get3A_66 : vector<16xi32> to vector<16xi32>
    tpu.vector_store %arg12[%swap3A_67], %swap3A_70 {strides = array<i32>} : memref<80xi32, #tpu.memory_space<vmem>>, vector<16xi32>,
    %get3A_71 = arith.constant 48 : index
    %get3A_72 = tpu.vector_load %arg9[%get3A_71] {strides = array<i32>} : memref<80xi32, #tpu.memory_space<vmem>>, vector<16xi32>,
    %get3A_73 = vector.shape_cast %get3A_72 : vector<16xi32> to vector<16xi32>
    %swap3A_74 = arith.constant 48 : index
    %swap3A_75 = tpu.vector_load %arg12[%swap3A_74] {strides = array<i32>} : memref<80xi32, #tpu.memory_space<vmem>>, vector<16xi32>,
    %swap3A_76 = vector.shape_cast %swap3A_75 : vector<16xi32> to vector<16xi32>
    %swap3A_77 = vector.shape_cast %get3A_73 : vector<16xi32> to vector<16xi32>
    tpu.vector_store %arg12[%swap3A_74], %swap3A_77 {strides = array<i32>} : memref<80xi32, #tpu.memory_space<vmem>>, vector<16xi32>,
    %get3A_78 = arith.constant 64 : index
    %get3A_79 = tpu.vector_load %arg9[%get3A_78] {strides = array<i32>} : memref<80xi32, #tpu.memory_space<vmem>>, vector<16xi32>,
    %get3A_80 = vector.shape_cast %get3A_79 : vector<16xi32> to vector<16xi32>
    %swap3A_81 = arith.constant 64 : index
    %swap3A_82 = tpu.vector_load %arg12[%swap3A_81] {strides = array<i32>} : memref<80xi32, #tpu.memory_space<vmem>>, vector<16xi32>,
    %swap3A_83 = vector.shape_cast %swap3A_82 : vector<16xi32> to vector<16xi32>
    %swap3A_84 = vector.shape_cast %get3A_80 : vector<16xi32> to vector<16xi32>
    tpu.vector_store %arg12[%swap3A_81], %swap3A_84 {strides = array<i32>} : memref<80xi32, #tpu.memory_space<vmem>>, vector<16xi32>,
    %dma_start3A_85 = arith.constant 0 : i32
    %dma_start3A_86 = arith.constant 0 : i32
    %dma_start3A_87 = tpu.memref_slice %arg19[%dma_start3A_85, %dma_start3A_86] : memref<10240x128xf32, #tpu.memory_space<vmem_shared>> -> memref<10240x128xf32, #tpu.memory_space<vmem_shared>>
    tpu.enqueue_indirect_dma source(%arg15 : memref<80x128xf32, #tpu.memory_space<vmem>>) target(%dma_start3A_87 : memref<10240x128xf32, #tpu.memory_space<vmem_shared>>) offsets(%arg12 : memref<80xi32, #tpu.memory_space<vmem>>) semaphore(%arg26 : memref<!tpu.dma_semaphore, #tpu.memory_space<semaphore_mem>>) {add = true}
    %scan3A_88 = arith.constant 0 : i32
    %scan3A_89 = arith.constant 0 : i32
    %scan3A_90 = arith.constant 41 : i32
    %scan3A_91 = arith.addi %scan3A_89, %scan3A_90 : i32
    %scan3A_92 = arith.constant 1 : i32
    scf.for %scan3A_146 = %scan3A_89 to %scan3A_91 step %scan3A_92  : i32 {
      %mul3A_147 = arith.constant 3 : i32
      %mul3A_148 = arith.muli %mul3A_147, %scan3A_146 : i32
      %add3A_149 = arith.constant 1 : i32
      %add3A_150 = arith.addi %mul3A_148, %add3A_149 : i32
      %add3A_151 = arith.constant 1 : i32
      %add3A_152 = arith.addi %add3A_150, %add3A_151 : i32
      %mul3A_153 = arith.constant 80 : i32
      %mul3A_154 = arith.muli %add3A_152, %mul3A_153 : i32
      %add3A_155 = arith.addi %mul3A_2, %mul3A_154 : i32
      %dma_wait3A_156 = tpu.memref_slice %arg3[%add3A_155] : memref<320000xi32, #tpu.memory_space<hbm>> -> memref<80xi32, #tpu.memory_space<hbm>>
      %dma_wait3A_157 = tpu.memref_slice %arg3[%add3A_155] : memref<320000xi32, #tpu.memory_space<hbm>> -> memref<80xi32, #tpu.memory_space<hbm>>
      tpu.wait_dma2 semaphore(%arg22 : memref<!tpu.dma_semaphore, #tpu.memory_space<semaphore_mem>>) src(%dma_wait3A_157 : memref<80xi32, #tpu.memory_space<hbm>>) dst(%arg8 : memref<80xi32, #tpu.memory_space<vmem>>)
      %dma_wait3A_158 = tpu.memref_slice %arg4[%add3A_155] : memref<320000xi32, #tpu.memory_space<hbm>> -> memref<80xi32, #tpu.memory_space<hbm>>
      %dma_wait3A_159 = tpu.memref_slice %arg4[%add3A_155] : memref<320000xi32, #tpu.memory_space<hbm>> -> memref<80xi32, #tpu.memory_space<hbm>>
      tpu.wait_dma2 semaphore(%arg22 : memref<!tpu.dma_semaphore, #tpu.memory_space<semaphore_mem>>) src(%dma_wait3A_159 : memref<80xi32, #tpu.memory_space<hbm>>) dst(%arg11 : memref<80xi32, #tpu.memory_space<vmem>>)
      %add3A_160 = arith.constant 2 : i32
      %add3A_161 = arith.addi %add3A_150, %add3A_160 : i32
      %lt3A = arith.constant 125 : i32
      %lt3A_162 = arith.cmpi slt, %add3A_161, %lt3A : i32
      %convert_element_type3A = arith.extui %lt3A_162 : i1 to i32
      %cond3A = arith.constant 0 : i32
      %cond3A_163 = arith.cmpi ne, %convert_element_type3A, %cond3A : i32
      scf.if %cond3A_163 {
        %add3A_357 = arith.constant 2 : i32
        %add3A_358 = arith.addi %add3A_150, %add3A_357 : i32
        %mul3A_359 = arith.constant 80 : i32
        %mul3A_360 = arith.muli %add3A_358, %mul3A_359 : i32
        %add3A_361 = arith.addi %mul3A_2, %mul3A_360 : i32
        %dma_start3A_362 = tpu.memref_slice %arg3[%add3A_361] : memref<320000xi32, #tpu.memory_space<hbm>> -> memref<80xi32, #tpu.memory_space<hbm>>
        %dma_start3A_363 = tpu.memref_slice %arg3[%add3A_361] : memref<320000xi32, #tpu.memory_space<hbm>> -> memref<80xi32, #tpu.memory_space<hbm>>
        tpu.enqueue_dma source(%dma_start3A_363 : memref<80xi32, #tpu.memory_space<hbm>>) target(%arg6 : memref<80xi32, #tpu.memory_space<vmem>>) target_semaphore(%arg20 : memref<!tpu.dma_semaphore, #tpu.memory_space<semaphore_mem>>)
        %dma_start3A_364 = tpu.memref_slice %arg4[%add3A_361] : memref<320000xi32, #tpu.memory_space<hbm>> -> memref<80xi32, #tpu.memory_space<hbm>>
        %dma_start3A_365 = tpu.memref_slice %arg4[%add3A_361] : memref<320000xi32, #tpu.memory_space<hbm>> -> memref<80xi32, #tpu.memory_space<hbm>>
        tpu.enqueue_dma source(%dma_start3A_365 : memref<80xi32, #tpu.memory_space<hbm>>) target(%arg9 : memref<80xi32, #tpu.memory_space<vmem>>) target_semaphore(%arg20 : memref<!tpu.dma_semaphore, #tpu.memory_space<semaphore_mem>>)
      } else {
      }
      %add3A_164 = arith.constant 1 : i32
      %add3A_165 = arith.addi %add3A_150, %add3A_164 : i32
      %lt3A_166 = arith.constant 125 : i32
      %lt3A_167 = arith.cmpi slt, %add3A_165, %lt3A_166 : i32
      %convert_element_type3A_168 = arith.extui %lt3A_167 : i1 to i32
      %cond3A_169 = arith.constant 0 : i32
      %cond3A_170 = arith.cmpi ne, %convert_element_type3A_168, %cond3A_169 : i32
      scf.if %cond3A_170 {
        %dma_start3A_357 = arith.constant 0 : i32
        %dma_start3A_358 = arith.constant 0 : i32
        %dma_start3A_359 = tpu.memref_slice %arg2[%dma_start3A_357, %dma_start3A_358] : memref<320000x128xf32, #tpu.memory_space<hbm>> -> memref<320000x128xf32, #tpu.memory_space<hbm>>
        tpu.enqueue_indirect_dma source(%dma_start3A_359 : memref<320000x128xf32, #tpu.memory_space<hbm>>) target(%arg17 : memref<80x128xf32, #tpu.memory_space<vmem>>) offsets(%arg8 : memref<80xi32, #tpu.memory_space<vmem>>) semaphore(%arg25 : memref<!tpu.dma_semaphore, #tpu.memory_space<semaphore_mem>>)
      } else {
      }
      %dma_wait3A_171 = arith.constant 0 : i32
      %dma_wait3A_172 = arith.constant 0 : i32
      %dma_wait3A_173 = tpu.memref_slice %arg2[%dma_wait3A_171, %dma_wait3A_172] : memref<320000x128xf32, #tpu.memory_space<hbm>> -> memref<320000x128xf32, #tpu.memory_space<hbm>>
      tpu.wait_indirect_dma semaphore(%arg24 : memref<!tpu.dma_semaphore, #tpu.memory_space<semaphore_mem>>) src(%dma_wait3A_173 : memref<320000x128xf32, #tpu.memory_space<hbm>>) dst(%arg16 : memref<80x128xf32, #tpu.memory_space<vmem>>)
      %dma_wait3A_174 = arith.constant 0 : i32
      %dma_wait3A_175 = arith.constant 0 : i32
      %dma_wait3A_176 = tpu.memref_slice %arg19[%dma_wait3A_174, %dma_wait3A_175] : memref<10240x128xf32, #tpu.memory_space<vmem_shared>> -> memref<10240x128xf32, #tpu.memory_space<vmem_shared>>
      tpu.wait_indirect_dma semaphore(%arg26 : memref<!tpu.dma_semaphore, #tpu.memory_space<semaphore_mem>>) src(%arg15 : memref<80x128xf32, #tpu.memory_space<vmem>>) dst(%dma_wait3A_176 : memref<10240x128xf32, #tpu.memory_space<vmem_shared>>)
      %get3A_177 = arith.constant 0 : index
      %get3A_178 = tpu.vector_load %arg10[%get3A_177] {strides = array<i32>} : memref<80xi32, #tpu.memory_space<vmem>>, vector<16xi32>,
      %get3A_179 = vector.shape_cast %get3A_178 : vector<16xi32> to vector<16xi32>
      %swap3A_180 = arith.constant 0 : index
      %swap3A_181 = tpu.vector_load %arg13[%swap3A_180] {strides = array<i32>} : memref<80xi32, #tpu.memory_space<vmem>>, vector<16xi32>,
      %swap3A_182 = vector.shape_cast %swap3A_181 : vector<16xi32> to vector<16xi32>
      %swap3A_183 = vector.shape_cast %get3A_179 : vector<16xi32> to vector<16xi32>
      tpu.vector_store %arg13[%swap3A_180], %swap3A_183 {strides = array<i32>} : memref<80xi32, #tpu.memory_space<vmem>>, vector<16xi32>,
      %get3A_184 = arith.constant 16 : index
      %get3A_185 = tpu.vector_load %arg10[%get3A_184] {strides = array<i32>} : memref<80xi32, #tpu.memory_space<vmem>>, vector<16xi32>,
      %get3A_186 = vector.shape_cast %get3A_185 : vector<16xi32> to vector<16xi32>
      %swap3A_187 = arith.constant 16 : index
      %swap3A_188 = tpu.vector_load %arg13[%swap3A_187] {strides = array<i32>} : memref<80xi32, #tpu.memory_space<vmem>>, vector<16xi32>,
      %swap3A_189 = vector.shape_cast %swap3A_188 : vector<16xi32> to vector<16xi32>
      %swap3A_190 = vector.shape_cast %get3A_186 : vector<16xi32> to vector<16xi32>
      tpu.vector_store %arg13[%swap3A_187], %swap3A_190 {strides = array<i32>} : memref<80xi32, #tpu.memory_space<vmem>>, vector<16xi32>,
      %get3A_191 = arith.constant 32 : index
      %get3A_192 = tpu.vector_load %arg10[%get3A_191] {strides = array<i32>} : memref<80xi32, #tpu.memory_space<vmem>>, vector<16xi32>,
      %get3A_193 = vector.shape_cast %get3A_192 : vector<16xi32> to vector<16xi32>
      %swap3A_194 = arith.constant 32 : index
      %swap3A_195 = tpu.vector_load %arg13[%swap3A_194] {strides = array<i32>} : memref<80xi32, #tpu.memory_space<vmem>>, vector<16xi32>,
      %swap3A_196 = vector.shape_cast %swap3A_195 : vector<16xi32> to vector<16xi32>
      %swap3A_197 = vector.shape_cast %get3A_193 : vector<16xi32> to vector<16xi32>
      tpu.vector_store %arg13[%swap3A_194], %swap3A_197 {strides = array<i32>} : memref<80xi32, #tpu.memory_space<vmem>>, vector<16xi32>,
      %get3A_198 = arith.constant 48 : index
      %get3A_199 = tpu.vector_load %arg10[%get3A_198] {strides = array<i32>} : memref<80xi32, #tpu.memory_space<vmem>>, vector<16xi32>,
      %get3A_200 = vector.shape_cast %get3A_199 : vector<16xi32> to vector<16xi32>
      %swap3A_201 = arith.constant 48 : index
      %swap3A_202 = tpu.vector_load %arg13[%swap3A_201] {strides = array<i32>} : memref<80xi32, #tpu.memory_space<vmem>>, vector<16xi32>,
      %swap3A_203 = vector.shape_cast %swap3A_202 : vector<16xi32> to vector<16xi32>
      %swap3A_204 = vector.shape_cast %get3A_200 : vector<16xi32> to vector<16xi32>
      tpu.vector_store %arg13[%swap3A_201], %swap3A_204 {strides = array<i32>} : memref<80xi32, #tpu.memory_space<vmem>>, vector<16xi32>,
      %get3A_205 = arith.constant 64 : index
      %get3A_206 = tpu.vector_load %arg10[%get3A_205] {strides = array<i32>} : memref<80xi32, #tpu.memory_space<vmem>>, vector<16xi32>,
      %get3A_207 = vector.shape_cast %get3A_206 : vector<16xi32> to vector<16xi32>
      %swap3A_208 = arith.constant 64 : index
      %swap3A_209 = tpu.vector_load %arg13[%swap3A_208] {strides = array<i32>} : memref<80xi32, #tpu.memory_space<vmem>>, vector<16xi32>,
      %swap3A_210 = vector.shape_cast %swap3A_209 : vector<16xi32> to vector<16xi32>
      %swap3A_211 = vector.shape_cast %get3A_207 : vector<16xi32> to vector<16xi32>
      tpu.vector_store %arg13[%swap3A_208], %swap3A_211 {strides = array<i32>} : memref<80xi32, #tpu.memory_space<vmem>>, vector<16xi32>,
      %dma_start3A_212 = arith.constant 0 : i32
      %dma_start3A_213 = arith.constant 0 : i32
      %dma_start3A_214 = tpu.memref_slice %arg19[%dma_start3A_212, %dma_start3A_213] : memref<10240x128xf32, #tpu.memory_space<vmem_shared>> -> memref<10240x128xf32, #tpu.memory_space<vmem_shared>>
      tpu.enqueue_indirect_dma source(%arg16 : memref<80x128xf32, #tpu.memory_space<vmem>>) target(%dma_start3A_214 : memref<10240x128xf32, #tpu.memory_space<vmem_shared>>) offsets(%arg13 : memref<80xi32, #tpu.memory_space<vmem>>) semaphore(%arg27 : memref<!tpu.dma_semaphore, #tpu.memory_space<semaphore_mem>>) {add = true}
      %mul3A_215 = arith.constant 3 : i32
      %mul3A_216 = arith.muli %mul3A_215, %scan3A_146 : i32
      %add3A_217 = arith.constant 2 : i32
      %add3A_218 = arith.addi %mul3A_216, %add3A_217 : i32
      %add3A_219 = arith.constant 1 : i32
      %add3A_220 = arith.addi %add3A_218, %add3A_219 : i32
      %mul3A_221 = arith.constant 80 : i32
      %mul3A_222 = arith.muli %add3A_220, %mul3A_221 : i32
      %add3A_223 = arith.addi %mul3A_2, %mul3A_222 : i32
      %dma_wait3A_224 = tpu.memref_slice %arg3[%add3A_223] : memref<320000xi32, #tpu.memory_space<hbm>> -> memref<80xi32, #tpu.memory_space<hbm>>
      %dma_wait3A_225 = tpu.memref_slice %arg3[%add3A_223] : memref<320000xi32, #tpu.memory_space<hbm>> -> memref<80xi32, #tpu.memory_space<hbm>>
      tpu.wait_dma2 semaphore(%arg20 : memref<!tpu.dma_semaphore, #tpu.memory_space<semaphore_mem>>) src(%dma_wait3A_225 : memref<80xi32, #tpu.memory_space<hbm>>) dst(%arg6 : memref<80xi32, #tpu.memory_space<vmem>>)
      %dma_wait3A_226 = tpu.memref_slice %arg4[%add3A_223] : memref<320000xi32, #tpu.memory_space<hbm>> -> memref<80xi32, #tpu.memory_space<hbm>>
      %dma_wait3A_227 = tpu.memref_slice %arg4[%add3A_223] : memref<320000xi32, #tpu.memory_space<hbm>> -> memref<80xi32, #tpu.memory_space<hbm>>
      tpu.wait_dma2 semaphore(%arg20 : memref<!tpu.dma_semaphore, #tpu.memory_space<semaphore_mem>>) src(%dma_wait3A_227 : memref<80xi32, #tpu.memory_space<hbm>>) dst(%arg9 : memref<80xi32, #tpu.memory_space<vmem>>)
      %add3A_228 = arith.constant 2 : i32
      %add3A_229 = arith.addi %add3A_218, %add3A_228 : i32
      %lt3A_230 = arith.constant 125 : i32
      %lt3A_231 = arith.cmpi slt, %add3A_229, %lt3A_230 : i32
      %convert_element_type3A_232 = arith.extui %lt3A_231 : i1 to i32
      %cond3A_233 = arith.constant 0 : i32
      %cond3A_234 = arith.cmpi ne, %convert_element_type3A_232, %cond3A_233 : i32
      scf.if %cond3A_234 {
        %add3A_357 = arith.constant 2 : i32
        %add3A_358 = arith.addi %add3A_218, %add3A_357 : i32
        %mul3A_359 = arith.constant 80 : i32
        %mul3A_360 = arith.muli %add3A_358, %mul3A_359 : i32
        %add3A_361 = arith.addi %mul3A_2, %mul3A_360 : i32
        %dma_start3A_362 = tpu.memref_slice %arg3[%add3A_361] : memref<320000xi32, #tpu.memory_space<hbm>> -> memref<80xi32, #tpu.memory_space<hbm>>
        %dma_start3A_363 = tpu.memref_slice %arg3[%add3A_361] : memref<320000xi32, #tpu.memory_space<hbm>> -> memref<80xi32, #tpu.memory_space<hbm>>
        tpu.enqueue_dma source(%dma_start3A_363 : memref<80xi32, #tpu.memory_space<hbm>>) target(%arg7 : memref<80xi32, #tpu.memory_space<vmem>>) target_semaphore(%arg21 : memref<!tpu.dma_semaphore, #tpu.memory_space<semaphore_mem>>)
        %dma_start3A_364 = tpu.memref_slice %arg4[%add3A_361] : memref<320000xi32, #tpu.memory_space<hbm>> -> memref<80xi32, #tpu.memory_space<hbm>>
        %dma_start3A_365 = tpu.memref_slice %arg4[%add3A_361] : memref<320000xi32, #tpu.memory_space<hbm>> -> memref<80xi32, #tpu.memory_space<hbm>>
        tpu.enqueue_dma source(%dma_start3A_365 : memref<80xi32, #tpu.memory_space<hbm>>) target(%arg10 : memref<80xi32, #tpu.memory_space<vmem>>) target_semaphore(%arg21 : memref<!tpu.dma_semaphore, #tpu.memory_space<semaphore_mem>>)
      } else {
      }
      %add3A_235 = arith.constant 1 : i32
      %add3A_236 = arith.addi %add3A_218, %add3A_235 : i32
      %lt3A_237 = arith.constant 125 : i32
      %lt3A_238 = arith.cmpi slt, %add3A_236, %lt3A_237 : i32
      %convert_element_type3A_239 = arith.extui %lt3A_238 : i1 to i32
      %cond3A_240 = arith.constant 0 : i32
      %cond3A_241 = arith.cmpi ne, %convert_element_type3A_239, %cond3A_240 : i32
      scf.if %cond3A_241 {
        %dma_start3A_357 = arith.constant 0 : i32
        %dma_start3A_358 = arith.constant 0 : i32
        %dma_start3A_359 = tpu.memref_slice %arg2[%dma_start3A_357, %dma_start3A_358] : memref<320000x128xf32, #tpu.memory_space<hbm>> -> memref<320000x128xf32, #tpu.memory_space<hbm>>
        tpu.enqueue_indirect_dma source(%dma_start3A_359 : memref<320000x128xf32, #tpu.memory_space<hbm>>) target(%arg15 : memref<80x128xf32, #tpu.memory_space<vmem>>) offsets(%arg6 : memref<80xi32, #tpu.memory_space<vmem>>) semaphore(%arg23 : memref<!tpu.dma_semaphore, #tpu.memory_space<semaphore_mem>>)
      } else {
      }
      %dma_wait3A_242 = arith.constant 0 : i32
      %dma_wait3A_243 = arith.constant 0 : i32
      %dma_wait3A_244 = tpu.memref_slice %arg2[%dma_wait3A_242, %dma_wait3A_243] : memref<320000x128xf32, #tpu.memory_space<hbm>> -> memref<320000x128xf32, #tpu.memory_space<hbm>>
      tpu.wait_indirect_dma semaphore(%arg25 : memref<!tpu.dma_semaphore, #tpu.memory_space<semaphore_mem>>) src(%dma_wait3A_244 : memref<320000x128xf32, #tpu.memory_space<hbm>>) dst(%arg17 : memref<80x128xf32, #tpu.memory_space<vmem>>)
      %dma_wait3A_245 = arith.constant 0 : i32
      %dma_wait3A_246 = arith.constant 0 : i32
      %dma_wait3A_247 = tpu.memref_slice %arg19[%dma_wait3A_245, %dma_wait3A_246] : memref<10240x128xf32, #tpu.memory_space<vmem_shared>> -> memref<10240x128xf32, #tpu.memory_space<vmem_shared>>
      tpu.wait_indirect_dma semaphore(%arg27 : memref<!tpu.dma_semaphore, #tpu.memory_space<semaphore_mem>>) src(%arg16 : memref<80x128xf32, #tpu.memory_space<vmem>>) dst(%dma_wait3A_247 : memref<10240x128xf32, #tpu.memory_space<vmem_shared>>)
      %get3A_248 = arith.constant 0 : index
      %get3A_249 = tpu.vector_load %arg11[%get3A_248] {strides = array<i32>} : memref<80xi32, #tpu.memory_space<vmem>>, vector<16xi32>,
      %get3A_250 = vector.shape_cast %get3A_249 : vector<16xi32> to vector<16xi32>
      %swap3A_251 = arith.constant 0 : index
      %swap3A_252 = tpu.vector_load %arg14[%swap3A_251] {strides = array<i32>} : memref<80xi32, #tpu.memory_space<vmem>>, vector<16xi32>,
      %swap3A_253 = vector.shape_cast %swap3A_252 : vector<16xi32> to vector<16xi32>
      %swap3A_254 = vector.shape_cast %get3A_250 : vector<16xi32> to vector<16xi32>
      tpu.vector_store %arg14[%swap3A_251], %swap3A_254 {strides = array<i32>} : memref<80xi32, #tpu.memory_space<vmem>>, vector<16xi32>,
      %get3A_255 = arith.constant 16 : index
      %get3A_256 = tpu.vector_load %arg11[%get3A_255] {strides = array<i32>} : memref<80xi32, #tpu.memory_space<vmem>>, vector<16xi32>,
      %get3A_257 = vector.shape_cast %get3A_256 : vector<16xi32> to vector<16xi32>
      %swap3A_258 = arith.constant 16 : index
      %swap3A_259 = tpu.vector_load %arg14[%swap3A_258] {strides = array<i32>} : memref<80xi32, #tpu.memory_space<vmem>>, vector<16xi32>,
      %swap3A_260 = vector.shape_cast %swap3A_259 : vector<16xi32> to vector<16xi32>
      %swap3A_261 = vector.shape_cast %get3A_257 : vector<16xi32> to vector<16xi32>
      tpu.vector_store %arg14[%swap3A_258], %swap3A_261 {strides = array<i32>} : memref<80xi32, #tpu.memory_space<vmem>>, vector<16xi32>,
      %get3A_262 = arith.constant 32 : index
      %get3A_263 = tpu.vector_load %arg11[%get3A_262] {strides = array<i32>} : memref<80xi32, #tpu.memory_space<vmem>>, vector<16xi32>,
      %get3A_264 = vector.shape_cast %get3A_263 : vector<16xi32> to vector<16xi32>
      %swap3A_265 = arith.constant 32 : index
      %swap3A_266 = tpu.vector_load %arg14[%swap3A_265] {strides = array<i32>} : memref<80xi32, #tpu.memory_space<vmem>>, vector<16xi32>,
      %swap3A_267 = vector.shape_cast %swap3A_266 : vector<16xi32> to vector<16xi32>
      %swap3A_268 = vector.shape_cast %get3A_264 : vector<16xi32> to vector<16xi32>
      tpu.vector_store %arg14[%swap3A_265], %swap3A_268 {strides = array<i32>} : memref<80xi32, #tpu.memory_space<vmem>>, vector<16xi32>,
      %get3A_269 = arith.constant 48 : index
      %get3A_270 = tpu.vector_load %arg11[%get3A_269] {strides = array<i32>} : memref<80xi32, #tpu.memory_space<vmem>>, vector<16xi32>,
      %get3A_271 = vector.shape_cast %get3A_270 : vector<16xi32> to vector<16xi32>
      %swap3A_272 = arith.constant 48 : index
      %swap3A_273 = tpu.vector_load %arg14[%swap3A_272] {strides = array<i32>} : memref<80xi32, #tpu.memory_space<vmem>>, vector<16xi32>,
      %swap3A_274 = vector.shape_cast %swap3A_273 : vector<16xi32> to vector<16xi32>
      %swap3A_275 = vector.shape_cast %get3A_271 : vector<16xi32> to vector<16xi32>
      tpu.vector_store %arg14[%swap3A_272], %swap3A_275 {strides = array<i32>} : memref<80xi32, #tpu.memory_space<vmem>>, vector<16xi32>,
      %get3A_276 = arith.constant 64 : index
      %get3A_277 = tpu.vector_load %arg11[%get3A_276] {strides = array<i32>} : memref<80xi32, #tpu.memory_space<vmem>>, vector<16xi32>,
      %get3A_278 = vector.shape_cast %get3A_277 : vector<16xi32> to vector<16xi32>
      %swap3A_279 = arith.constant 64 : index
      %swap3A_280 = tpu.vector_load %arg14[%swap3A_279] {strides = array<i32>} : memref<80xi32, #tpu.memory_space<vmem>>, vector<16xi32>,
      %swap3A_281 = vector.shape_cast %swap3A_280 : vector<16xi32> to vector<16xi32>
      %swap3A_282 = vector.shape_cast %get3A_278 : vector<16xi32> to vector<16xi32>
      tpu.vector_store %arg14[%swap3A_279], %swap3A_282 {strides = array<i32>} : memref<80xi32, #tpu.memory_space<vmem>>, vector<16xi32>,
      %dma_start3A_283 = arith.constant 0 : i32
      %dma_start3A_284 = arith.constant 0 : i32
      %dma_start3A_285 = tpu.memref_slice %arg19[%dma_start3A_283, %dma_start3A_284] : memref<10240x128xf32, #tpu.memory_space<vmem_shared>> -> memref<10240x128xf32, #tpu.memory_space<vmem_shared>>
      tpu.enqueue_indirect_dma source(%arg17 : memref<80x128xf32, #tpu.memory_space<vmem>>) target(%dma_start3A_285 : memref<10240x128xf32, #tpu.memory_space<vmem_shared>>) offsets(%arg14 : memref<80xi32, #tpu.memory_space<vmem>>) semaphore(%arg28 : memref<!tpu.dma_semaphore, #tpu.memory_space<semaphore_mem>>) {add = true}
      %mul3A_286 = arith.constant 3 : i32
      %mul3A_287 = arith.muli %mul3A_286, %scan3A_146 : i32
      %add3A_288 = arith.constant 3 : i32
      %add3A_289 = arith.addi %mul3A_287, %add3A_288 : i32
      %add3A_290 = arith.constant 1 : i32
      %add3A_291 = arith.addi %add3A_289, %add3A_290 : i32
      %mul3A_292 = arith.constant 80 : i32
      %mul3A_293 = arith.muli %add3A_291, %mul3A_292 : i32
      %add3A_294 = arith.addi %mul3A_2, %mul3A_293 : i32
      %dma_wait3A_295 = tpu.memref_slice %arg3[%add3A_294] : memref<320000xi32, #tpu.memory_space<hbm>> -> memref<80xi32, #tpu.memory_space<hbm>>
      %dma_wait3A_296 = tpu.memref_slice %arg3[%add3A_294] : memref<320000xi32, #tpu.memory_space<hbm>> -> memref<80xi32, #tpu.memory_space<hbm>>
      tpu.wait_dma2 semaphore(%arg21 : memref<!tpu.dma_semaphore, #tpu.memory_space<semaphore_mem>>) src(%dma_wait3A_296 : memref<80xi32, #tpu.memory_space<hbm>>) dst(%arg7 : memref<80xi32, #tpu.memory_space<vmem>>)
      %dma_wait3A_297 = tpu.memref_slice %arg4[%add3A_294] : memref<320000xi32, #tpu.memory_space<hbm>> -> memref<80xi32, #tpu.memory_space<hbm>>
      %dma_wait3A_298 = tpu.memref_slice %arg4[%add3A_294] : memref<320000xi32, #tpu.memory_space<hbm>> -> memref<80xi32, #tpu.memory_space<hbm>>
      tpu.wait_dma2 semaphore(%arg21 : memref<!tpu.dma_semaphore, #tpu.memory_space<semaphore_mem>>) src(%dma_wait3A_298 : memref<80xi32, #tpu.memory_space<hbm>>) dst(%arg10 : memref<80xi32, #tpu.memory_space<vmem>>)
      %add3A_299 = arith.constant 2 : i32
      %add3A_300 = arith.addi %add3A_289, %add3A_299 : i32
      %lt3A_301 = arith.constant 125 : i32
      %lt3A_302 = arith.cmpi slt, %add3A_300, %lt3A_301 : i32
      %convert_element_type3A_303 = arith.extui %lt3A_302 : i1 to i32
      %cond3A_304 = arith.constant 0 : i32
      %cond3A_305 = arith.cmpi ne, %convert_element_type3A_303, %cond3A_304 : i32
      scf.if %cond3A_305 {
        %add3A_357 = arith.constant 2 : i32
        %add3A_358 = arith.addi %add3A_289, %add3A_357 : i32
        %mul3A_359 = arith.constant 80 : i32
        %mul3A_360 = arith.muli %add3A_358, %mul3A_359 : i32
        %add3A_361 = arith.addi %mul3A_2, %mul3A_360 : i32
        %dma_start3A_362 = tpu.memref_slice %arg3[%add3A_361] : memref<320000xi32, #tpu.memory_space<hbm>> -> memref<80xi32, #tpu.memory_space<hbm>>
        %dma_start3A_363 = tpu.memref_slice %arg3[%add3A_361] : memref<320000xi32, #tpu.memory_space<hbm>> -> memref<80xi32, #tpu.memory_space<hbm>>
        tpu.enqueue_dma source(%dma_start3A_363 : memref<80xi32, #tpu.memory_space<hbm>>) target(%arg8 : memref<80xi32, #tpu.memory_space<vmem>>) target_semaphore(%arg22 : memref<!tpu.dma_semaphore, #tpu.memory_space<semaphore_mem>>)
        %dma_start3A_364 = tpu.memref_slice %arg4[%add3A_361] : memref<320000xi32, #tpu.memory_space<hbm>> -> memref<80xi32, #tpu.memory_space<hbm>>
        %dma_start3A_365 = tpu.memref_slice %arg4[%add3A_361] : memref<320000xi32, #tpu.memory_space<hbm>> -> memref<80xi32, #tpu.memory_space<hbm>>
        tpu.enqueue_dma source(%dma_start3A_365 : memref<80xi32, #tpu.memory_space<hbm>>) target(%arg11 : memref<80xi32, #tpu.memory_space<vmem>>) target_semaphore(%arg22 : memref<!tpu.dma_semaphore, #tpu.memory_space<semaphore_mem>>)
      } else {
      }
      %add3A_306 = arith.constant 1 : i32
      %add3A_307 = arith.addi %add3A_289, %add3A_306 : i32
      %lt3A_308 = arith.constant 125 : i32
      %lt3A_309 = arith.cmpi slt, %add3A_307, %lt3A_308 : i32
      %convert_element_type3A_310 = arith.extui %lt3A_309 : i1 to i32
      %cond3A_311 = arith.constant 0 : i32
      %cond3A_312 = arith.cmpi ne, %convert_element_type3A_310, %cond3A_311 : i32
      scf.if %cond3A_312 {
        %dma_start3A_357 = arith.constant 0 : i32
        %dma_start3A_358 = arith.constant 0 : i32
        %dma_start3A_359 = tpu.memref_slice %arg2[%dma_start3A_357, %dma_start3A_358] : memref<320000x128xf32, #tpu.memory_space<hbm>> -> memref<320000x128xf32, #tpu.memory_space<hbm>>
        tpu.enqueue_indirect_dma source(%dma_start3A_359 : memref<320000x128xf32, #tpu.memory_space<hbm>>) target(%arg16 : memref<80x128xf32, #tpu.memory_space<vmem>>) offsets(%arg7 : memref<80xi32, #tpu.memory_space<vmem>>) semaphore(%arg24 : memref<!tpu.dma_semaphore, #tpu.memory_space<semaphore_mem>>)
      } else {
      }
      %dma_wait3A_313 = arith.constant 0 : i32
      %dma_wait3A_314 = arith.constant 0 : i32
      %dma_wait3A_315 = tpu.memref_slice %arg2[%dma_wait3A_313, %dma_wait3A_314] : memref<320000x128xf32, #tpu.memory_space<hbm>> -> memref<320000x128xf32, #tpu.memory_space<hbm>>
      tpu.wait_indirect_dma semaphore(%arg23 : memref<!tpu.dma_semaphore, #tpu.memory_space<semaphore_mem>>) src(%dma_wait3A_315 : memref<320000x128xf32, #tpu.memory_space<hbm>>) dst(%arg15 : memref<80x128xf32, #tpu.memory_space<vmem>>)
      %dma_wait3A_316 = arith.constant 0 : i32
      %dma_wait3A_317 = arith.constant 0 : i32
      %dma_wait3A_318 = tpu.memref_slice %arg19[%dma_wait3A_316, %dma_wait3A_317] : memref<10240x128xf32, #tpu.memory_space<vmem_shared>> -> memref<10240x128xf32, #tpu.memory_space<vmem_shared>>
      tpu.wait_indirect_dma semaphore(%arg28 : memref<!tpu.dma_semaphore, #tpu.memory_space<semaphore_mem>>) src(%arg17 : memref<80x128xf32, #tpu.memory_space<vmem>>) dst(%dma_wait3A_318 : memref<10240x128xf32, #tpu.memory_space<vmem_shared>>)
      %get3A_319 = arith.constant 0 : index
      %get3A_320 = tpu.vector_load %arg9[%get3A_319] {strides = array<i32>} : memref<80xi32, #tpu.memory_space<vmem>>, vector<16xi32>,
      %get3A_321 = vector.shape_cast %get3A_320 : vector<16xi32> to vector<16xi32>
      %swap3A_322 = arith.constant 0 : index
      %swap3A_323 = tpu.vector_load %arg12[%swap3A_322] {strides = array<i32>} : memref<80xi32, #tpu.memory_space<vmem>>, vector<16xi32>,
      %swap3A_324 = vector.shape_cast %swap3A_323 : vector<16xi32> to vector<16xi32>
      %swap3A_325 = vector.shape_cast %get3A_321 : vector<16xi32> to vector<16xi32>
      tpu.vector_store %arg12[%swap3A_322], %swap3A_325 {strides = array<i32>} : memref<80xi32, #tpu.memory_space<vmem>>, vector<16xi32>,
      %get3A_326 = arith.constant 16 : index
      %get3A_327 = tpu.vector_load %arg9[%get3A_326] {strides = array<i32>} : memref<80xi32, #tpu.memory_space<vmem>>, vector<16xi32>,
      %get3A_328 = vector.shape_cast %get3A_327 : vector<16xi32> to vector<16xi32>
      %swap3A_329 = arith.constant 16 : index
      %swap3A_330 = tpu.vector_load %arg12[%swap3A_329] {strides = array<i32>} : memref<80xi32, #tpu.memory_space<vmem>>, vector<16xi32>,
      %swap3A_331 = vector.shape_cast %swap3A_330 : vector<16xi32> to vector<16xi32>
      %swap3A_332 = vector.shape_cast %get3A_328 : vector<16xi32> to vector<16xi32>
      tpu.vector_store %arg12[%swap3A_329], %swap3A_332 {strides = array<i32>} : memref<80xi32, #tpu.memory_space<vmem>>, vector<16xi32>,
      %get3A_333 = arith.constant 32 : index
      %get3A_334 = tpu.vector_load %arg9[%get3A_333] {strides = array<i32>} : memref<80xi32, #tpu.memory_space<vmem>>, vector<16xi32>,
      %get3A_335 = vector.shape_cast %get3A_334 : vector<16xi32> to vector<16xi32>
      %swap3A_336 = arith.constant 32 : index
      %swap3A_337 = tpu.vector_load %arg12[%swap3A_336] {strides = array<i32>} : memref<80xi32, #tpu.memory_space<vmem>>, vector<16xi32>,
      %swap3A_338 = vector.shape_cast %swap3A_337 : vector<16xi32> to vector<16xi32>
      %swap3A_339 = vector.shape_cast %get3A_335 : vector<16xi32> to vector<16xi32>
      tpu.vector_store %arg12[%swap3A_336], %swap3A_339 {strides = array<i32>} : memref<80xi32, #tpu.memory_space<vmem>>, vector<16xi32>,
      %get3A_340 = arith.constant 48 : index
      %get3A_341 = tpu.vector_load %arg9[%get3A_340] {strides = array<i32>} : memref<80xi32, #tpu.memory_space<vmem>>, vector<16xi32>,
      %get3A_342 = vector.shape_cast %get3A_341 : vector<16xi32> to vector<16xi32>
      %swap3A_343 = arith.constant 48 : index
      %swap3A_344 = tpu.vector_load %arg12[%swap3A_343] {strides = array<i32>} : memref<80xi32, #tpu.memory_space<vmem>>, vector<16xi32>,
      %swap3A_345 = vector.shape_cast %swap3A_344 : vector<16xi32> to vector<16xi32>
      %swap3A_346 = vector.shape_cast %get3A_342 : vector<16xi32> to vector<16xi32>
      tpu.vector_store %arg12[%swap3A_343], %swap3A_346 {strides = array<i32>} : memref<80xi32, #tpu.memory_space<vmem>>, vector<16xi32>,
      %get3A_347 = arith.constant 64 : index
      %get3A_348 = tpu.vector_load %arg9[%get3A_347] {strides = array<i32>} : memref<80xi32, #tpu.memory_space<vmem>>, vector<16xi32>,
      %get3A_349 = vector.shape_cast %get3A_348 : vector<16xi32> to vector<16xi32>
      %swap3A_350 = arith.constant 64 : index
      %swap3A_351 = tpu.vector_load %arg12[%swap3A_350] {strides = array<i32>} : memref<80xi32, #tpu.memory_space<vmem>>, vector<16xi32>,
      %swap3A_352 = vector.shape_cast %swap3A_351 : vector<16xi32> to vector<16xi32>
      %swap3A_353 = vector.shape_cast %get3A_349 : vector<16xi32> to vector<16xi32>
      tpu.vector_store %arg12[%swap3A_350], %swap3A_353 {strides = array<i32>} : memref<80xi32, #tpu.memory_space<vmem>>, vector<16xi32>,
      %dma_start3A_354 = arith.constant 0 : i32
      %dma_start3A_355 = arith.constant 0 : i32
      %dma_start3A_356 = tpu.memref_slice %arg19[%dma_start3A_354, %dma_start3A_355] : memref<10240x128xf32, #tpu.memory_space<vmem_shared>> -> memref<10240x128xf32, #tpu.memory_space<vmem_shared>>
      tpu.enqueue_indirect_dma source(%arg15 : memref<80x128xf32, #tpu.memory_space<vmem>>) target(%dma_start3A_356 : memref<10240x128xf32, #tpu.memory_space<vmem_shared>>) offsets(%arg12 : memref<80xi32, #tpu.memory_space<vmem>>) semaphore(%arg26 : memref<!tpu.dma_semaphore, #tpu.memory_space<semaphore_mem>>) {add = true}
    }
    %scan3A_93 = arith.constant 41 : i32
    %dma_wait3A_94 = arith.constant 0 : i32
    %dma_wait3A_95 = arith.constant 0 : i32
    %dma_wait3A_96 = tpu.memref_slice %arg2[%dma_wait3A_94, %dma_wait3A_95] : memref<320000x128xf32, #tpu.memory_space<hbm>> -> memref<320000x128xf32, #tpu.memory_space<hbm>>
    tpu.wait_indirect_dma semaphore(%arg24 : memref<!tpu.dma_semaphore, #tpu.memory_space<semaphore_mem>>) src(%dma_wait3A_96 : memref<320000x128xf32, #tpu.memory_space<hbm>>) dst(%arg16 : memref<80x128xf32, #tpu.memory_space<vmem>>)
    %dma_wait3A_97 = arith.constant 0 : i32
    %dma_wait3A_98 = arith.constant 0 : i32
    %dma_wait3A_99 = tpu.memref_slice %arg19[%dma_wait3A_97, %dma_wait3A_98] : memref<10240x128xf32, #tpu.memory_space<vmem_shared>> -> memref<10240x128xf32, #tpu.memory_space<vmem_shared>>
    tpu.wait_indirect_dma semaphore(%arg26 : memref<!tpu.dma_semaphore, #tpu.memory_space<semaphore_mem>>) src(%arg15 : memref<80x128xf32, #tpu.memory_space<vmem>>) dst(%dma_wait3A_99 : memref<10240x128xf32, #tpu.memory_space<vmem_shared>>)
    %get3A_100 = arith.constant 0 : index
    %get3A_101 = tpu.vector_load %arg10[%get3A_100] {strides = array<i32>} : memref<80xi32, #tpu.memory_space<vmem>>, vector<16xi32>,
    %get3A_102 = vector.shape_cast %get3A_101 : vector<16xi32> to vector<16xi32>
    %swap3A_103 = arith.constant 0 : index
    %swap3A_104 = tpu.vector_load %arg13[%swap3A_103] {strides = array<i32>} : memref<80xi32, #tpu.memory_space<vmem>>, vector<16xi32>,
    %swap3A_105 = vector.shape_cast %swap3A_104 : vector<16xi32> to vector<16xi32>
    %swap3A_106 = vector.shape_cast %get3A_102 : vector<16xi32> to vector<16xi32>
    tpu.vector_store %arg13[%swap3A_103], %swap3A_106 {strides = array<i32>} : memref<80xi32, #tpu.memory_space<vmem>>, vector<16xi32>,
    %get3A_107 = arith.constant 16 : index
    %get3A_108 = tpu.vector_load %arg10[%get3A_107] {strides = array<i32>} : memref<80xi32, #tpu.memory_space<vmem>>, vector<16xi32>,
    %get3A_109 = vector.shape_cast %get3A_108 : vector<16xi32> to vector<16xi32>
    %swap3A_110 = arith.constant 16 : index
    %swap3A_111 = tpu.vector_load %arg13[%swap3A_110] {strides = array<i32>} : memref<80xi32, #tpu.memory_space<vmem>>, vector<16xi32>,
    %swap3A_112 = vector.shape_cast %swap3A_111 : vector<16xi32> to vector<16xi32>
    %swap3A_113 = vector.shape_cast %get3A_109 : vector<16xi32> to vector<16xi32>
    tpu.vector_store %arg13[%swap3A_110], %swap3A_113 {strides = array<i32>} : memref<80xi32, #tpu.memory_space<vmem>>, vector<16xi32>,
    %get3A_114 = arith.constant 32 : index
    %get3A_115 = tpu.vector_load %arg10[%get3A_114] {strides = array<i32>} : memref<80xi32, #tpu.memory_space<vmem>>, vector<16xi32>,
    %get3A_116 = vector.shape_cast %get3A_115 : vector<16xi32> to vector<16xi32>
    %swap3A_117 = arith.constant 32 : index
    %swap3A_118 = tpu.vector_load %arg13[%swap3A_117] {strides = array<i32>} : memref<80xi32, #tpu.memory_space<vmem>>, vector<16xi32>,
    %swap3A_119 = vector.shape_cast %swap3A_118 : vector<16xi32> to vector<16xi32>
    %swap3A_120 = vector.shape_cast %get3A_116 : vector<16xi32> to vector<16xi32>
    tpu.vector_store %arg13[%swap3A_117], %swap3A_120 {strides = array<i32>} : memref<80xi32, #tpu.memory_space<vmem>>, vector<16xi32>,
    %get3A_121 = arith.constant 48 : index
    %get3A_122 = tpu.vector_load %arg10[%get3A_121] {strides = array<i32>} : memref<80xi32, #tpu.memory_space<vmem>>, vector<16xi32>,
    %get3A_123 = vector.shape_cast %get3A_122 : vector<16xi32> to vector<16xi32>
    %swap3A_124 = arith.constant 48 : index
    %swap3A_125 = tpu.vector_load %arg13[%swap3A_124] {strides = array<i32>} : memref<80xi32, #tpu.memory_space<vmem>>, vector<16xi32>,
    %swap3A_126 = vector.shape_cast %swap3A_125 : vector<16xi32> to vector<16xi32>
    %swap3A_127 = vector.shape_cast %get3A_123 : vector<16xi32> to vector<16xi32>
    tpu.vector_store %arg13[%swap3A_124], %swap3A_127 {strides = array<i32>} : memref<80xi32, #tpu.memory_space<vmem>>, vector<16xi32>,
    %get3A_128 = arith.constant 64 : index
    %get3A_129 = tpu.vector_load %arg10[%get3A_128] {strides = array<i32>} : memref<80xi32, #tpu.memory_space<vmem>>, vector<16xi32>,
    %get3A_130 = vector.shape_cast %get3A_129 : vector<16xi32> to vector<16xi32>
    %swap3A_131 = arith.constant 64 : index
    %swap3A_132 = tpu.vector_load %arg13[%swap3A_131] {strides = array<i32>} : memref<80xi32, #tpu.memory_space<vmem>>, vector<16xi32>,
    %swap3A_133 = vector.shape_cast %swap3A_132 : vector<16xi32> to vector<16xi32>
    %swap3A_134 = vector.shape_cast %get3A_130 : vector<16xi32> to vector<16xi32>
    tpu.vector_store %arg13[%swap3A_131], %swap3A_134 {strides = array<i32>} : memref<80xi32, #tpu.memory_space<vmem>>, vector<16xi32>,
    %dma_start3A_135 = arith.constant 0 : i32
    %dma_start3A_136 = arith.constant 0 : i32
    %dma_start3A_137 = tpu.memref_slice %arg19[%dma_start3A_135, %dma_start3A_136] : memref<10240x128xf32, #tpu.memory_space<vmem_shared>> -> memref<10240x128xf32, #tpu.memory_space<vmem_shared>>
    tpu.enqueue_indirect_dma source(%arg16 : memref<80x128xf32, #tpu.memory_space<vmem>>) target(%dma_start3A_137 : memref<10240x128xf32, #tpu.memory_space<vmem_shared>>) offsets(%arg13 : memref<80xi32, #tpu.memory_space<vmem>>) semaphore(%arg27 : memref<!tpu.dma_semaphore, #tpu.memory_space<semaphore_mem>>) {add = true}
    %dma_wait3A_138 = arith.constant 0 : i32
    %dma_wait3A_139 = arith.constant 0 : i32
    %dma_wait3A_140 = tpu.memref_slice %arg19[%dma_wait3A_138, %dma_wait3A_139] : memref<10240x128xf32, #tpu.memory_space<vmem_shared>> -> memref<10240x128xf32, #tpu.memory_space<vmem_shared>>
    tpu.wait_indirect_dma semaphore(%arg27 : memref<!tpu.dma_semaphore, #tpu.memory_space<semaphore_mem>>) src(%arg16 : memref<80x128xf32, #tpu.memory_space<vmem>>) dst(%dma_wait3A_140 : memref<10240x128xf32, #tpu.memory_space<vmem_shared>>)
    %barrier3A_141 = arith.constant 0 : index
    tpu.barrier barrier_id(%barrier3A_141)
    %mul3A_142 = arith.constant 640 : i32
    %mul3A_143 = arith.muli %arg1, %mul3A_142 : i32
    %mul3A_144 = arith.constant 640 : i32
    %mul3A_145 = arith.muli %arg1, %mul3A_144 : i32
    "tpu.region"() ({
      %run_scoped3A = tpu.sem_alloc : memref<!tpu.dma_semaphore, #tpu.memory_space<semaphore_mem>>
      %dma_start3A_146 = arith.constant 0 : i32
      %dma_start3A_147 = tpu.memref_slice %arg5[%arg0, %mul3A_145, %dma_start3A_146] : memref<2x10240x128xf32, #tpu.memory_space<hbm>> -> memref<1x640x128xf32, #tpu.memory_space<hbm>>
      %dma_start3A_148 = tpu.memref_squeeze %dma_start3A_147 : memref<1x640x128xf32, #tpu.memory_space<hbm>> -> memref<640x128xf32, #tpu.memory_space<hbm>>
      %dma_start3A_149 = arith.constant 0 : i32
      %dma_start3A_150 = tpu.memref_slice %arg19[%mul3A_143, %dma_start3A_149] : memref<10240x128xf32, #tpu.memory_space<vmem_shared>> -> memref<640x128xf32, #tpu.memory_space<vmem_shared>>
      tpu.enqueue_dma source(%dma_start3A_150 : memref<640x128xf32, #tpu.memory_space<vmem_shared>>) target(%dma_start3A_148 : memref<640x128xf32, #tpu.memory_space<hbm>>) target_semaphore(%run_scoped3A : memref<!tpu.dma_semaphore, #tpu.memory_space<semaphore_mem>>)
      %dma_wait3A_151 = arith.constant 0 : i32
      %dma_wait3A_152 = tpu.memref_slice %arg5[%arg0, %mul3A_145, %dma_wait3A_151] : memref<2x10240x128xf32, #tpu.memory_space<hbm>> -> memref<1x640x128xf32, #tpu.memory_space<hbm>>
      %dma_wait3A_153 = tpu.memref_squeeze %dma_wait3A_152 : memref<1x640x128xf32, #tpu.memory_space<hbm>> -> memref<640x128xf32, #tpu.memory_space<hbm>>
      %dma_wait3A_154 = arith.constant 0 : i32
      %dma_wait3A_155 = tpu.memref_slice %arg19[%mul3A_143, %dma_wait3A_154] : memref<10240x128xf32, #tpu.memory_space<vmem_shared>> -> memref<640x128xf32, #tpu.memory_space<vmem_shared>>
      tpu.wait_dma2 semaphore(%run_scoped3A : memref<!tpu.dma_semaphore, #tpu.memory_space<semaphore_mem>>) src(%dma_wait3A_155 : memref<640x128xf32, #tpu.memory_space<vmem_shared>>) dst(%dma_wait3A_153 : memref<640x128xf32, #tpu.memory_space<hbm>>)
      tpu.yield
    }) : () -> ()
    return
  }
}

module attributes {stable_mosaic.version = 14 : i64} {
  func.func @_count_body(%arg0: i32, %arg1: memref<1x1x2048xi32, #tpu.memory_space<vmem>>, %arg2: memref<128x80xf32, #tpu.memory_space<vmem>>) attributes {dimension_semantics = [#tpu.dimension_semantics<arbitrary>], iteration_bounds = array<i64: 157>, scalar_prefetch = 0 : i64, scratch_operands = 0 : i64, tpu.core_type = #tpu.core_type<tc>, window_params = [{transform_indices = @transform_0, window_bounds = array<i64: 1, 1, 2048>}, {pipeline_mode = #tpu.pipeline_mode<synchronous>, transform_indices = @transform_1, window_bounds = array<i64: 128, 80>}]} {
    %get3A = arith.constant 0 : index
    %get3A_0 = arith.constant 0 : index
    %get3A_1 = arith.constant 0 : index
    %get3A_2 = vector.load %arg1[%get3A, %get3A_0, %get3A_1] : memref<1x1x2048xi32, #tpu.memory_space<vmem>>, vector<1x1x2048xi32>
    %get3A_3 = vector.shape_cast %get3A_2 : vector<1x1x2048xi32> to vector<2048xi32>
    %jit3A = arith.constant 80 : i32
    %div3A = vector.broadcast %jit3A : i32 to vector<2048xi32>
    %div3A_4 = arith.divsi %get3A_3, %div3A : vector<2048xi32>
    %sign3A = arith.constant 0 : i32
    %sign3A_5 = vector.broadcast %sign3A : i32 to vector<2048xi32>
    %sign3A_6 = arith.cmpi sgt, %get3A_3, %sign3A_5 : vector<2048xi32>
    %sign3A_7 = arith.extui %sign3A_6 : vector<2048xi1> to vector<2048xi32>
    %sign3A_8 = arith.constant 0 : i32
    %sign3A_9 = vector.broadcast %sign3A_8 : i32 to vector<2048xi32>
    %sign3A_10 = arith.cmpi slt, %get3A_3, %sign3A_9 : vector<2048xi32>
    %sign3A_11 = arith.extui %sign3A_10 : vector<2048xi1> to vector<2048xi32>
    %sign3A_12 = arith.subi %sign3A_7, %sign3A_11 : vector<2048xi32>
    %sign3A_13 = arith.constant 0 : i32
    %sign3A_14 = arith.cmpi sgt, %jit3A, %sign3A_13 : i32
    %sign3A_15 = arith.extui %sign3A_14 : i1 to i32
    %sign3A_16 = arith.constant 0 : i32
    %sign3A_17 = arith.cmpi slt, %jit3A, %sign3A_16 : i32
    %sign3A_18 = arith.extui %sign3A_17 : i1 to i32
    %sign3A_19 = arith.subi %sign3A_15, %sign3A_18 : i32
    %ne3A = vector.broadcast %sign3A_19 : i32 to vector<2048xi32>
    %ne3A_20 = arith.cmpi ne, %sign3A_12, %ne3A : vector<2048xi32>
    %rem3A = vector.broadcast %jit3A : i32 to vector<2048xi32>
    %rem3A_21 = arith.remsi %get3A_3, %rem3A : vector<2048xi32>
    %ne3A_22 = arith.constant 0 : i32
    %ne3A_23 = vector.broadcast %ne3A_22 : i32 to vector<2048xi32>
    %ne3A_24 = arith.cmpi ne, %rem3A_21, %ne3A_23 : vector<2048xi32>
    %and3A = arith.andi %ne3A_20, %ne3A_24 : vector<2048xi1>
    %sub3A = arith.constant 1 : i32
    %sub3A_25 = vector.broadcast %sub3A : i32 to vector<2048xi32>
    %sub3A_26 = arith.subi %div3A_4, %sub3A_25 : vector<2048xi32>
    %select_n3A = arith.select %and3A, %sub3A_26, %div3A_4 : vector<2048xi1>, vector<2048xi32>
    %mul3A = arith.constant 80 : i32
    %mul3A_27 = vector.broadcast %mul3A : i32 to vector<2048xi32>
    %mul3A_28 = arith.muli %select_n3A, %mul3A_27 : vector<2048xi32>
    %sub3A_29 = arith.subi %get3A_3, %mul3A_28 : vector<2048xi32>
    %broadcast_in_dim3A = vector.shape_cast %select_n3A : vector<2048xi32> to vector<2048x1xi32>
    %iota3A = tpu.iota {dimensions = array<i32: 1>} : vector<2048x128xi32>
    %eq3A = vector.broadcast %broadcast_in_dim3A : vector<2048x1xi32> to vector<2048x128xi32>
    %eq3A_30 = arith.cmpi eq, %eq3A, %iota3A : vector<2048x128xi32>
    %convert_element_type3A = arith.extui %eq3A_30 : vector<2048x128xi1> to vector<2048x128xi32>
    %convert_element_type3A_31 = arith.sitofp %convert_element_type3A : vector<2048x128xi32> to vector<2048x128xf32>
    %broadcast_in_dim3A_32 = vector.shape_cast %sub3A_29 : vector<2048xi32> to vector<2048x1xi32>
    %iota3A_33 = tpu.iota {dimensions = array<i32: 1>} : vector<2048x80xi32>
    %eq3A_34 = vector.broadcast %broadcast_in_dim3A_32 : vector<2048x1xi32> to vector<2048x80xi32>
    %eq3A_35 = arith.cmpi eq, %eq3A_34, %iota3A_33 : vector<2048x80xi32>
    %convert_element_type3A_36 = arith.extui %eq3A_35 : vector<2048x80xi1> to vector<2048x80xi32>
    %convert_element_type3A_37 = arith.sitofp %convert_element_type3A_36 : vector<2048x80xi32> to vector<2048x80xf32>
    %dot_general3A = arith.constant dense<0.000000e+00> : vector<128x80xf32>
    %dot_general3A_38 = tpu.matmul %convert_element_type3A_31, %convert_element_type3A_37, %dot_general3A {dimension_numbers = #tpu.dot_dimension_numbers<[0], [0], [1], [1], [0, 1, 1, 1], [], []>, transpose_lhs_hint = false} : vector<2048x128xf32>, vector<2048x80xf32>, vector<128x80xf32> -> vector<128x80xf32>
    %eq3A_39 = arith.constant 0 : i32
    %eq3A_40 = arith.cmpi eq, %arg0, %eq3A_39 : i32
    %convert_element_type3A_41 = arith.extui %eq3A_40 : i1 to i32
    %cond3A = arith.constant 0 : i32
    %cond3A_42 = arith.cmpi ne, %convert_element_type3A_41, %cond3A : i32
    scf.if %cond3A_42 {
      %broadcast_in_dim3A_48 = arith.constant 0.000000e+00 : f32
      %broadcast_in_dim3A_49 = vector.broadcast %broadcast_in_dim3A_48 : f32 to vector<128x80xf32>
      %swap3A_50 = arith.constant 0 : index
      %swap3A_51 = arith.constant 0 : index
      %swap3A_52 = vector.load %arg2[%swap3A_50, %swap3A_51] : memref<128x80xf32, #tpu.memory_space<vmem>>, vector<128x80xf32>
      tpu.vector_store %arg2[%swap3A_50, %swap3A_51], %broadcast_in_dim3A_49 {strides = array<i32>} : memref<128x80xf32, #tpu.memory_space<vmem>>, vector<128x80xf32>,
    } else {
    }
    %get3A_43 = arith.constant 0 : index
    %get3A_44 = arith.constant 0 : index
    %get3A_45 = vector.load %arg2[%get3A_43, %get3A_44] : memref<128x80xf32, #tpu.memory_space<vmem>>, vector<128x80xf32>
    %add3A = arith.addf %get3A_45, %dot_general3A_38 : vector<128x80xf32>
    %swap3A = arith.constant 0 : index
    %swap3A_46 = arith.constant 0 : index
    %swap3A_47 = vector.load %arg2[%swap3A, %swap3A_46] : memref<128x80xf32, #tpu.memory_space<vmem>>, vector<128x80xf32>
    tpu.vector_store %arg2[%swap3A, %swap3A_46], %add3A {strides = array<i32>} : memref<128x80xf32, #tpu.memory_space<vmem>>, vector<128x80xf32>,
    return
  }
  func.func @transform_0(%arg0: i32) -> (i32, i32, i32) {
    %c0_i32 = arith.constant 0 : i32
    %c0_i32_0 = arith.constant 0 : i32
    %c0_i32_1 = arith.constant 0 : i32
    return %arg0, %c0_i32, %c0_i32_0 : i32, i32, i32
  }
  func.func @transform_1(%arg0: i32) -> (i32, i32) {
    %c0_i32 = arith.constant 0 : i32
    %c0_i32_0 = arith.constant 0 : i32
    %c0_i32_1 = arith.constant 0 : i32
    return %c0_i32, %c0_i32_0 : i32, i32
  }
}

module attributes {stable_mosaic.version = 14 : i64} {
  func.func @_mlp_body(%arg0: i32, %arg1: memref<2000x128xf32, #tpu.memory_space<vmem>>, %arg2: memref<2x2000x128xf32, #tpu.memory_space<vmem>>, %arg3: memref<2000x1xf32, #tpu.memory_space<vmem>>, %arg4: memref<2000x1xi32, #tpu.memory_space<vmem>>, %arg5: memref<64x64xf32, #tpu.memory_space<vmem>>, %arg6: memref<320x256xf32, #tpu.memory_space<vmem>>, %arg7: memref<1x256xf32, #tpu.memory_space<vmem>>, %arg8: memref<256x256xf32, #tpu.memory_space<vmem>>, %arg9: memref<1x256xf32, #tpu.memory_space<vmem>>, %arg10: memref<256x128xf32, #tpu.memory_space<vmem>>, %arg11: memref<1x128xf32, #tpu.memory_space<vmem>>, %arg12: memref<2000x128xf32, #tpu.memory_space<vmem>>) attributes {dimension_semantics = [#tpu.dimension_semantics<arbitrary>], iteration_bounds = array<i64: 5>, scalar_prefetch = 0 : i64, scratch_operands = 0 : i64, tpu.core_type = #tpu.core_type<tc>, window_params = [{transform_indices = @transform_0, window_bounds = array<i64: 2000, 128>}, {transform_indices = @transform_1, window_bounds = array<i64: 2, 2000, 128>}, {transform_indices = @transform_2, window_bounds = array<i64: 2000, 1>}, {transform_indices = @transform_3, window_bounds = array<i64: 2000, 1>}, {pipeline_mode = #tpu.pipeline_mode<synchronous>, transform_indices = @transform_4, window_bounds = array<i64: 64, 64>}, {pipeline_mode = #tpu.pipeline_mode<synchronous>, transform_indices = @transform_5, window_bounds = array<i64: 320, 256>}, {pipeline_mode = #tpu.pipeline_mode<synchronous>, transform_indices = @transform_6, window_bounds = array<i64: 1, 256>}, {pipeline_mode = #tpu.pipeline_mode<synchronous>, transform_indices = @transform_7, window_bounds = array<i64: 256, 256>}, {pipeline_mode = #tpu.pipeline_mode<synchronous>, transform_indices = @transform_8, window_bounds = array<i64: 1, 256>}, {pipeline_mode = #tpu.pipeline_mode<synchronous>, transform_indices = @transform_9, window_bounds = array<i64: 256, 128>}, {pipeline_mode = #tpu.pipeline_mode<synchronous>, transform_indices = @transform_10, window_bounds = array<i64: 1, 128>}, {transform_indices = @transform_11, window_bounds = array<i64: 2000, 128>}]} {
    %get3A = arith.constant 0 : index
    %get3A_0 = arith.constant 0 : index
    %get3A_1 = vector.load %arg3[%get3A, %get3A_0] : memref<2000x1xf32, #tpu.memory_space<vmem>>, vector<2000x1xf32>
    %get3A_2 = arith.constant 0 : index
    %get3A_3 = arith.constant 0 : index
    %get3A_4 = arith.constant 0 : index
    %get3A_5 = vector.load %arg2[%get3A_2, %get3A_3, %get3A_4] : memref<2x2000x128xf32, #tpu.memory_space<vmem>>, vector<1x2000x128xf32>
    %get3A_6 = vector.shape_cast %get3A_5 : vector<1x2000x128xf32> to vector<2000x128xf32>
    %get3A_7 = arith.constant 1 : index
    %get3A_8 = arith.constant 0 : index
    %get3A_9 = arith.constant 0 : index
    %get3A_10 = vector.load %arg2[%get3A_7, %get3A_8, %get3A_9] : memref<2x2000x128xf32, #tpu.memory_space<vmem>>, vector<1x2000x128xf32>
    %get3A_11 = vector.shape_cast %get3A_10 : vector<1x2000x128xf32> to vector<2000x128xf32>
    %add3A = arith.addf %get3A_6, %get3A_11 : vector<2000x128xf32>
    %max3A = arith.constant 1.000000e+00 : f32
    %max3A_12 = vector.broadcast %max3A : f32 to vector<2000x1xf32>
    %max3A_13 = arith.maximumf %get3A_1, %max3A_12 : vector<2000x1xf32>
    %div3A = vector.broadcast %max3A_13 : vector<2000x1xf32> to vector<2000x128xf32>
    %div3A_14 = arith.divf %add3A, %div3A : vector<2000x128xf32>
    %get3A_15 = arith.constant 0 : index
    %get3A_16 = arith.constant 0 : index
    %get3A_17 = vector.load %arg4[%get3A_15, %get3A_16] : memref<2000x1xi32, #tpu.memory_space<vmem>>, vector<2000x1xi32>
    %get3A_18 = vector.shape_cast %get3A_17 : vector<2000x1xi32> to vector<2000xi32>
    %broadcast_in_dim3A = vector.shape_cast %get3A_18 : vector<2000xi32> to vector<2000x1xi32>
    %iota3A = tpu.iota {dimensions = array<i32: 1>} : vector<2000x64xi32>
    %eq3A = vector.broadcast %broadcast_in_dim3A : vector<2000x1xi32> to vector<2000x64xi32>
    %eq3A_19 = arith.cmpi eq, %eq3A, %iota3A : vector<2000x64xi32>
    %convert_element_type3A = arith.extui %eq3A_19 : vector<2000x64xi1> to vector<2000x64xi32>
    %convert_element_type3A_20 = arith.sitofp %convert_element_type3A : vector<2000x64xi32> to vector<2000x64xf32>
    %get3A_21 = arith.constant 0 : index
    %get3A_22 = arith.constant 0 : index
    %get3A_23 = vector.load %arg5[%get3A_21, %get3A_22] : memref<64x64xf32, #tpu.memory_space<vmem>>, vector<64x64xf32>
    %dot_general3A = arith.constant dense<0.000000e+00> : vector<2000x64xf32>
    %dot_general3A_24 = tpu.matmul %convert_element_type3A_20, %get3A_23, %dot_general3A {dimension_numbers = #tpu.dot_dimension_numbers<[1], [0], [0], [1], [0, 0, 1, 1], [], []>, transpose_lhs_hint = false} : vector<2000x64xf32>, vector<64x64xf32>, vector<2000x64xf32> -> vector<2000x64xf32>
    %get3A_25 = arith.constant 0 : index
    %get3A_26 = arith.constant 0 : index
    %get3A_27 = vector.load %arg1[%get3A_25, %get3A_26] : memref<2000x128xf32, #tpu.memory_space<vmem>>, vector<2000x128xf32>
    %get3A_28 = arith.constant 0 : index
    %get3A_29 = arith.constant 0 : index
    %get3A_30 = vector.load %arg6[%get3A_28, %get3A_29] : memref<320x256xf32, #tpu.memory_space<vmem>>, vector<128x256xf32>
    %dot_general3A_31 = arith.constant dense<0.000000e+00> : vector<2000x256xf32>
    %dot_general3A_32 = tpu.matmul %get3A_27, %get3A_30, %dot_general3A_31 {dimension_numbers = #tpu.dot_dimension_numbers<[1], [0], [0], [1], [0, 0, 1, 1], [], []>, transpose_lhs_hint = false} : vector<2000x128xf32>, vector<128x256xf32>, vector<2000x256xf32> -> vector<2000x256xf32>
    %get3A_33 = arith.constant 128 : index
    %get3A_34 = arith.constant 0 : index
    %get3A_35 = vector.load %arg6[%get3A_33, %get3A_34] : memref<320x256xf32, #tpu.memory_space<vmem>>, vector<128x256xf32>
    %dot_general3A_36 = arith.constant dense<0.000000e+00> : vector<2000x256xf32>
    %dot_general3A_37 = tpu.matmul %div3A_14, %get3A_35, %dot_general3A_36 {dimension_numbers = #tpu.dot_dimension_numbers<[1], [0], [0], [1], [0, 0, 1, 1], [], []>, transpose_lhs_hint = false} : vector<2000x128xf32>, vector<128x256xf32>, vector<2000x256xf32> -> vector<2000x256xf32>
    %add3A_38 = arith.addf %dot_general3A_32, %dot_general3A_37 : vector<2000x256xf32>
    %get3A_39 = arith.constant 256 : index
    %get3A_40 = arith.constant 0 : index
    %get3A_41 = vector.load %arg6[%get3A_39, %get3A_40] : memref<320x256xf32, #tpu.memory_space<vmem>>, vector<64x256xf32>
    %dot_general3A_42 = arith.constant dense<0.000000e+00> : vector<2000x256xf32>
    %dot_general3A_43 = tpu.matmul %dot_general3A_24, %get3A_41, %dot_general3A_42 {dimension_numbers = #tpu.dot_dimension_numbers<[1], [0], [0], [1], [0, 0, 1, 1], [], []>, transpose_lhs_hint = false} : vector<2000x64xf32>, vector<64x256xf32>, vector<2000x256xf32> -> vector<2000x256xf32>
    %add3A_44 = arith.addf %add3A_38, %dot_general3A_43 : vector<2000x256xf32>
    %get3A_45 = arith.constant 0 : index
    %get3A_46 = arith.constant 0 : index
    %get3A_47 = vector.load %arg7[%get3A_45, %get3A_46] : memref<1x256xf32, #tpu.memory_space<vmem>>, vector<1x256xf32>
    %add3A_48 = vector.broadcast %get3A_47 : vector<1x256xf32> to vector<2000x256xf32>
    %add3A_49 = arith.addf %add3A_44, %add3A_48 : vector<2000x256xf32>
    %max3A_50 = arith.constant 0.000000e+00 : f32
    %max3A_51 = vector.broadcast %max3A_50 : f32 to vector<2000x256xf32>
    %max3A_52 = arith.maximumf %add3A_49, %max3A_51 : vector<2000x256xf32>
    %abs3A = math.absf %add3A_49 : vector<2000x256xf32>
    %neg3A = arith.constant 0.000000e+00 : f32
    %neg3A_53 = vector.broadcast %neg3A : f32 to vector<2000x256xf32>
    %neg3A_54 = arith.subf %neg3A_53, %abs3A : vector<2000x256xf32>
    %exp3A = math.exp %neg3A_54 : vector<2000x256xf32>
    %log1p3A = math.log1p %exp3A : vector<2000x256xf32>
    %add3A_55 = arith.addf %max3A_52, %log1p3A : vector<2000x256xf32>
    %get3A_56 = arith.constant 0 : index
    %get3A_57 = arith.constant 0 : index
    %get3A_58 = vector.load %arg8[%get3A_56, %get3A_57] : memref<256x256xf32, #tpu.memory_space<vmem>>, vector<256x256xf32>
    %dot_general3A_59 = arith.constant dense<0.000000e+00> : vector<2000x256xf32>
    %dot_general3A_60 = tpu.matmul %add3A_55, %get3A_58, %dot_general3A_59 {dimension_numbers = #tpu.dot_dimension_numbers<[1], [0], [0], [1], [0, 0, 1, 1], [], []>, transpose_lhs_hint = false} : vector<2000x256xf32>, vector<256x256xf32>, vector<2000x256xf32> -> vector<2000x256xf32>
    %get3A_61 = arith.constant 0 : index
    %get3A_62 = arith.constant 0 : index
    %get3A_63 = vector.load %arg9[%get3A_61, %get3A_62] : memref<1x256xf32, #tpu.memory_space<vmem>>, vector<1x256xf32>
    %add3A_64 = vector.broadcast %get3A_63 : vector<1x256xf32> to vector<2000x256xf32>
    %add3A_65 = arith.addf %dot_general3A_60, %add3A_64 : vector<2000x256xf32>
    %max3A_66 = arith.constant 0.000000e+00 : f32
    %max3A_67 = vector.broadcast %max3A_66 : f32 to vector<2000x256xf32>
    %max3A_68 = arith.maximumf %add3A_65, %max3A_67 : vector<2000x256xf32>
    %abs3A_69 = math.absf %add3A_65 : vector<2000x256xf32>
    %neg3A_70 = arith.constant 0.000000e+00 : f32
    %neg3A_71 = vector.broadcast %neg3A_70 : f32 to vector<2000x256xf32>
    %neg3A_72 = arith.subf %neg3A_71, %abs3A_69 : vector<2000x256xf32>
    %exp3A_73 = math.exp %neg3A_72 : vector<2000x256xf32>
    %log1p3A_74 = math.log1p %exp3A_73 : vector<2000x256xf32>
    %add3A_75 = arith.addf %max3A_68, %log1p3A_74 : vector<2000x256xf32>
    %get3A_76 = arith.constant 0 : index
    %get3A_77 = arith.constant 0 : index
    %get3A_78 = vector.load %arg10[%get3A_76, %get3A_77] : memref<256x128xf32, #tpu.memory_space<vmem>>, vector<256x128xf32>
    %dot_general3A_79 = arith.constant dense<0.000000e+00> : vector<2000x128xf32>
    %dot_general3A_80 = tpu.matmul %add3A_75, %get3A_78, %dot_general3A_79 {dimension_numbers = #tpu.dot_dimension_numbers<[1], [0], [0], [1], [0, 0, 1, 1], [], []>, transpose_lhs_hint = false} : vector<2000x256xf32>, vector<256x128xf32>, vector<2000x128xf32> -> vector<2000x128xf32>
    %get3A_81 = arith.constant 0 : index
    %get3A_82 = arith.constant 0 : index
    %get3A_83 = vector.load %arg11[%get3A_81, %get3A_82] : memref<1x128xf32, #tpu.memory_space<vmem>>, vector<1x128xf32>
    %add3A_84 = vector.broadcast %get3A_83 : vector<1x128xf32> to vector<2000x128xf32>
    %add3A_85 = arith.addf %dot_general3A_80, %add3A_84 : vector<2000x128xf32>
    %swap3A = arith.constant 0 : index
    %swap3A_86 = arith.constant 0 : index
    %swap3A_87 = vector.load %arg12[%swap3A, %swap3A_86] : memref<2000x128xf32, #tpu.memory_space<vmem>>, vector<2000x128xf32>
    tpu.vector_store %arg12[%swap3A, %swap3A_86], %add3A_85 {strides = array<i32>} : memref<2000x128xf32, #tpu.memory_space<vmem>>, vector<2000x128xf32>,
    return
  }
  func.func @transform_0(%arg0: i32) -> (i32, i32) {
    %c0_i32 = arith.constant 0 : i32
    %c0_i32_0 = arith.constant 0 : i32
    return %arg0, %c0_i32 : i32, i32
  }
  func.func @transform_1(%arg0: i32) -> (i32, i32, i32) {
    %c0_i32 = arith.constant 0 : i32
    %c0_i32_0 = arith.constant 0 : i32
    %c0_i32_1 = arith.constant 0 : i32
    return %c0_i32, %arg0, %c0_i32_0 : i32, i32, i32
  }
  func.func @transform_2(%arg0: i32) -> (i32, i32) {
    %c0_i32 = arith.constant 0 : i32
    %c0_i32_0 = arith.constant 0 : i32
    return %arg0, %c0_i32 : i32, i32
  }
  func.func @transform_3(%arg0: i32) -> (i32, i32) {
    %c0_i32 = arith.constant 0 : i32
    %c0_i32_0 = arith.constant 0 : i32
    return %arg0, %c0_i32 : i32, i32
  }
  func.func @transform_4(%arg0: i32) -> (i32, i32) {
    %c0_i32 = arith.constant 0 : i32
    %c0_i32_0 = arith.constant 0 : i32
    %c0_i32_1 = arith.constant 0 : i32
    return %c0_i32, %c0_i32_0 : i32, i32
  }
  func.func @transform_5(%arg0: i32) -> (i32, i32) {
    %c0_i32 = arith.constant 0 : i32
    %c0_i32_0 = arith.constant 0 : i32
    %c0_i32_1 = arith.constant 0 : i32
    return %c0_i32, %c0_i32_0 : i32, i32
  }
  func.func @transform_6(%arg0: i32) -> (i32, i32) {
    %c0_i32 = arith.constant 0 : i32
    %c0_i32_0 = arith.constant 0 : i32
    %c0_i32_1 = arith.constant 0 : i32
    return %c0_i32, %c0_i32_0 : i32, i32
  }
  func.func @transform_7(%arg0: i32) -> (i32, i32) {
    %c0_i32 = arith.constant 0 : i32
    %c0_i32_0 = arith.constant 0 : i32
    %c0_i32_1 = arith.constant 0 : i32
    return %c0_i32, %c0_i32_0 : i32, i32
  }
  func.func @transform_8(%arg0: i32) -> (i32, i32) {
    %c0_i32 = arith.constant 0 : i32
    %c0_i32_0 = arith.constant 0 : i32
    %c0_i32_1 = arith.constant 0 : i32
    return %c0_i32, %c0_i32_0 : i32, i32
  }
  func.func @transform_9(%arg0: i32) -> (i32, i32) {
    %c0_i32 = arith.constant 0 : i32
    %c0_i32_0 = arith.constant 0 : i32
    %c0_i32_1 = arith.constant 0 : i32
    return %c0_i32, %c0_i32_0 : i32, i32
  }
  func.func @transform_10(%arg0: i32) -> (i32, i32) {
    %c0_i32 = arith.constant 0 : i32
    %c0_i32_0 = arith.constant 0 : i32
    %c0_i32_1 = arith.constant 0 : i32
    return %c0_i32, %c0_i32_0 : i32, i32
  }
  func.func @transform_11(%arg0: i32) -> (i32, i32) {
    %c0_i32 = arith.constant 0 : i32
    %c0_i32_0 = arith.constant 0 : i32
    return %arg0, %c0_i32 : i32, i32
  }
}

</mosaic_0001>

<sc_bundles>
// kernel: kernel.5.cloned.1.call-start
scs
__scs_entry_jumppad:
0x0: {  	(pc) =	sbr.rel $0x88, $3  }
0x1: {  	(tag) =	ssettag $0x0;
	lr =	simm.s32 $0x1  }
0x2: {  	[smem:$0x3F95] =	sst lr;
	_ =	strace $0xD0000000  }
0x3: {  	_ = 	snop  }
0x4: {  	_ = 	snop  }
0x5: {  	_ = 	snop  }
0x6: {  	_ = 	snop  }
0x7: {  	_ = 	snop  }
__scs_overlays_trampoline_lowered:
0x8: {  	[smem:$0x3FA4] =	sst s0  }
0x9: {  	[smem:$0x3FA5] =	sst s1  }
0xa: {  	[smem:$0x3FA6] =	sst s2  }
0xb: {  	[smem:$0x3FA7] =	sst s3  }
0xc: {  	[smem:$0x3FA8] =	sst s4  }
0xd: {  	[smem:$0x3FA9] =	sst s5  }
0xe: {  	[smem:$0x3FAA] =	sst s6  }
0xf: {  	[smem:$0x3FAB] =	sst s7  }
0x10: {  	[smem:$0x3FAC] =	sst s8  }
0x11: {  	[smem:$0x3FAD] =	sst s9;
	s0 =	simm.s32 @!p0 $0x0  }
0x12: {  	s1 =	sld [smem:$0x3F93];
	s0 =	simm.s32 @p0 $0x1  }
0x13: {  	[smem:$0x3FAE] =	sst s0;
	s0 =	simm.s32 @!p1 $0x0  }
0x14: {  	s2 =	sld [smem:$0x3F92];
	s0 =	simm.s32 @p1 $0x1  }
0x15: {  	[smem:$0x3FAF] =	sst s0;
	s0 =	simm.s32 @!p2 $0x0  }
0x16: {  	s3 =	sld [smem:$0x3FDB];
	s0 =	simm.s32 @p2 $0x1  }
0x17: {  	s4 =	simm.s32 $0x1BF5;
	[smem:$0x3FB1] =	sst s0  }
0x18: {  	s0 =	sld [smem:$0x3F94];
	_ =	swait.ge [sflag:s4], $0x0  }
0x19: {  	s7 =	sld [smem:$0x3F95]  }
0x1a: {  	s8 =	sadd.s32 $0xFFFFE003, lr  }
0x1b: {  	s9 =	sadd.s32 $0xFFFFFEF7, lr;
	s5 =	simm.s32 $0xFFFFFFFF;
	p2 =	slt.u32 s8, $0xFFFFF086  }
0x1c: {  	p1 =	slt.u32 s9, $0xF7A;
	s5 =	simm.s32 @!p2 $0x0  }
0x1d: {  	s5 =	simm.s32 @p1 $0x1;
	p0 =	seq.s32 s7, s2  }
0x1e: {  	s7 =	smul.u32 @!p0 $0xF7A, s2;
	p2 =	seq.s32 @!p0 s5, $0x0  }
0x1f: {  	s9 =	smul.u32 $0xF7A, s1;
	s8 =	simm.s32 @!p0 $0x1BF5;
	p2 =	por !p2, p0  }
0x20: {  	[sflag:s8] =	ssyncset.s32 @!p0 $0xFFFFF086;
	s6 =	sadd.s32 @!p0 s3, s7;
	s7 =	simm.s32 @!p0 $0x108  }
0x21: {  	s3 =	sadd.s32 s3, s9;
	s6 =	sadd.s32 @!p0 $0x88, s6;
	s7 =	simm.s32 @p2 $0x1082  }
0x22: {  	[simem:s7], [sflag:s8] =	dma.local @!p0 [hbm:s6], $0xF7A  }
0x23: {  	s9 =	sor.u32 $0xD0000000, s2;
	s6 =	simm.s32 $0x108;
	_ =	swait.ge @!p0 [sflag:s8], $0x0  }
0x24: {  	s3 =	sadd.s32 $0x88, s3;
	s6 =	simm.s32 @!p1 $0x1082;
	[sflag:s4] =	ssyncset.s32 $0xFFFFF086  }
0x25: {  	[simem:s6], [sflag:s4] =	dma.local [hbm:s3], $0xF7A  }
0x26: {  	[smem:$0x3F95] =	sst s1;
	(tag) =	ssettag s2;
	_ =	strace s9  }
0x27: {  	s1 =	sld [smem:$0x3FA5]  }
0x28: {  	s2 =	sld [smem:$0x3FA6]  }
0x29: {  	s4 =	sld [smem:$0x3FA8]  }
0x2a: {  	p0 =	seq.s32 s5, $0x0;
	s5 =	sld [smem:$0x3FA9]  }
0x2b: {  	s6 =	sld [smem:$0x3FAA]  }
0x2c: {  	s7 =	sld [smem:$0x3FAB]  }
0x2d: {  	s3 =	simm.s32 $0x108;
	s8 =	sld [smem:$0x3FAC]  }
0x2e: {  	s3 =	simm.s32 @!p0 $0x1082;
	s9 =	sld [smem:$0x3FAD]  }
0x2f: {  	lr =	sadd.s32 s0, s3;
	s0 =	sld [smem:$0x3FA4]  }
0x30: {  	s3 =	sld [smem:$0x3FA7]  }
0x31: {  	[smem:$0x3FB0] =	sst s10  }
0x32: {  	s10 =	sld [smem:$0x3FAE];
	_ =	sdelay $0x3  }
0x33: {  	p0 =	seq.s32 s10, $0x1;
	s10 =	sld [smem:$0x3FB0];
	_ =	sdelay $0x3  }
0x34: {  	[smem:$0x3FB0] =	sst s10  }
0x35: {  	s10 =	sld [smem:$0x3FAF];
	_ =	sdelay $0x3  }
0x36: {  	p1 =	seq.s32 s10, $0x1;
	s10 =	sld [smem:$0x3FB0];
	_ =	sdelay $0x3  }
0x37: {  	[smem:$0x3FB0] =	sst s10  }
0x38: {  	s10 =	sld [smem:$0x3FB1]  }
0x39: {  	_ = 	snop;
	(pc) =	sbr.ind lr, $3  }
0x3a: {  	_ = 	snop  }
0x3b: {  	_ = 	snop  }
0x3c: {  	p2 =	seq.s32 s10, $0x1;
	s10 =	sld [smem:$0x3FB0]  }
0x3d: {  	_ =	shalt  }
0x3e: {  	_ =	shalt  }
0x3f: {  	_ =	shalt  }
0x40: {  	_ =	shalt  }
0x41: {  	_ =	shalt  }
0x42: {  	_ =	shalt  }
0x43: {  	_ =	shalt  }
0x44: {  	_ =	shalt  }
0x45: {  	_ =	shalt  }
0x46: {  	_ =	shalt  }
0x47: {  	_ =	shalt  }
0x48: {  	_ =	shalt  }
0x49: {  	_ =	shalt  }
0x4a: {  	_ =	shalt  }
0x4b: {  	_ =	shalt  }
0x4c: {  	_ =	shalt  }
0x4d: {  	_ =	shalt  }
0x4e: {  	_ =	shalt  }
0x4f: {  	_ =	shalt  }
0x50: {  	_ =	shalt  }
0x51: {  	_ =	shalt  }
0x52: {  	_ =	shalt  }
0x53: {  	_ =	shalt  }
0x54: {  	_ =	shalt  }
0x55: {  	_ =	shalt  }
0x56: {  	_ =	shalt  }
0x57: {  	_ =	shalt  }
0x58: {  	_ =	shalt  }
0x59: {  	_ =	shalt  }
0x5a: {  	_ =	shalt  }
0x5b: {  	_ =	shalt  }
0x5c: {  	_ =	shalt  }
0x5d: {  	_ =	shalt  }
0x5e: {  	_ =	shalt  }
0x5f: {  	_ =	shalt  }
0x60: {  	_ =	shalt  }
0x61: {  	_ =	shalt  }
0x62: {  	_ =	shalt  }
0x63: {  	_ =	shalt  }
0x64: {  	_ =	shalt  }
0x65: {  	_ =	shalt  }
0x66: {  	_ =	shalt  }
0x67: {  	_ =	shalt  }
0x68: {  	_ =	shalt  }
0x69: {  	_ =	shalt  }
0x6a: {  	_ =	shalt  }
0x6b: {  	_ =	shalt  }
0x6c: {  	_ =	shalt  }
0x6d: {  	_ =	shalt  }
0x6e: {  	_ =	shalt  }
0x6f: {  	_ =	shalt  }
0x70: {  	_ =	shalt  }
0x71: {  	_ =	shalt  }
0x72: {  	_ =	shalt  }
0x73: {  	_ =	shalt  }
0x74: {  	_ =	shalt  }
0x75: {  	_ =	shalt  }
0x76: {  	_ =	shalt  }
0x77: {  	_ =	shalt  }
0x78: {  	_ =	shalt  }
0x79: {  	_ =	shalt  }
0x7a: {  	_ =	shalt  }
0x7b: {  	_ =	shalt  }
0x7c: {  	_ =	shalt  }
0x7d: {  	_ =	shalt  }
0x7e: {  	_ =	shalt  }
0x7f: {  	_ =	shalt  }
0x80: {  	_ =	shalt  }
0x81: {  	_ =	shalt  }
0x82: {  	_ =	shalt  }
0x83: {  	_ =	shalt  }
0x84: {  	_ =	shalt  }
0x85: {  	_ =	shalt  }
0x86: {  	_ =	shalt  }
0x87: {  	_ =	shalt  }
.Lfunc_end0:
.L_simem_size_0:
called_computation_lowered:
.L_overlay_start_0:
0x88: {  	s2 =	sld [smem:$0x3FD9]  }
0x89: {  	s3 =	sld [smem:$0x3FFE];
	_ =	sdelay $0x1  }
0x8a: {  	s1 =	srdreg.scid  }
0x8b: {  	s0 =	sand.u32 $0x1, s1  }
0x8c: {  	s17 =	sshll.u32 s0, $0xA;
	s2 =	sadd.s32 s3, s2  }
0x8d: {  	s2 =	sadd.s32 s2, s17  }
0x8e: {  	[smem:$0x3FBC] =	sst s2  }
0x8f: {  	_ = 	snop  }
0x90: {  	s2 =	sld [smem:$0x3FC8]  }
0x91: {  	s18 =	sld [smem:$0x3FC6]  }
0x92: {  	s4 =	sld [smem:$0x3FC5];
	(tm) =	ssettm $0x1  }
0x93: {  	s5 =	sld [smem:$0x3FFB];
	_ =	sdelay $0x3  }
0x94: {  	_ =	strace s5  }
0x95: {  	s5 =	sld [smem:$0x3FFC];
	_ =	sdelay $0x3  }
0x96: {  	_ =	strace s5  }
0x97: {  	s5 =	sld [smem:$0x3FFD];
	_ =	sdelay $0x3  }
0x98: {  	_ =	strace s5  }
0x99: {  	_ =	strace $0x8FFFFFFF  }
0x9a: {  	s19 =	sld [smem:$0x3FDB];
	_ =	sdelay $0x1  }
0x9b: {  	s6 =	simm.s32 $_scs_section_size  }
0x9c: {  	s7 =	simm.s32 $_size__tile_overlayer_lowered;
	s8 =	simm.s32 $_tile_overlayer_lowered  }
0x9d: {  	s22 =	simm.s32 $0x1BFF;
	s21 =	sshll.u32 s8, $0x1;
	s5 =	sadd.s32 s6, s19  }
0x9e: {  	s9 =	simm.s32 $0x0;
	s20 =	sshll.u32 s7, $0x1;
	s7 =	sadd.s32 s21, s5  }
0x9f: {  	[timem:s9], [sflag:s22] =	dma.local [hbm:s7], s20  }
0xa0: {  	_ =	swait.ge [sflag:s22], s20  }
0xa1: {  	s6 =	ssub.s32 $0x0, s20;
	[sflag:s22] =	ssyncset.done $0x0  }
0xa2: {  	[sflag:s22] =	ssyncadd.s32 s6;
	_ =	sdelay $0x1  }
0xa3: {  	s23 =	simm.s32 $0x1B8B  }
0xa4: {  	_ =	swait.ge [sflag:s23], $0x1  }
0xa5: {  	[sflag:s23] =	ssyncset.done $0x0  }
0xa6: {  	s25 =	simm.s32 $0x1B8E;
	s24 =	sld [smem:$0x3FFE];
	[sflag:s23] =	ssyncadd.s32 $0xFFFFFFFF  }
0xa7: {  	s26 =	simm.s32 $execute0_lowered;
	[smem:$0x3FD2] =	sst s25  }
0xa8: {  	s7 =	sshll.u32 s26, $0x1;
	_ =	strace $0x80000046;
	[dreg:$0x1] =	wrdreg $0xFFFFFFFF  }
0xa9: {  	s28 =	simm.s32 $_size_execute0_lowered;
	s5 =	sadd.s32 s5, s7;
	[dreg:$0x0] =	wrdreg $0x0  }
0xaa: {  	s7 =	sshll.u32 s28, $0x1;
	[dreg:$0x2] =	wrdreg s5  }
0xab: {  	[dreg:$0x3] =	wrdreg s7  }
0xac: {  	[dreg:$0x4] =	wrdreg $0xC0  }
0xad: {  	_ =	task [dreg:s9], $0x5FFFF  }
0xae: {  	[dreg:$0x1] =	wrdreg $0xFFFFFFFF  }
0xaf: {  	[dreg:$0x0] =	wrdreg $0x60  }
0xb0: {  	[dreg:$0x2] =	wrdreg s2  }
0xb1: {  	[dreg:$0x3] =	wrdreg s18  }
0xb2: {  	[dreg:$0x4] =	wrdreg s4  }
0xb3: {  	[dreg:$0x5] =	wrdreg s24  }
0xb4: {  	[dreg:$0x6] =	wrdreg $0x90800  }
0xb5: {  	[dreg:$0x7] =	wrdreg $0x9  }
0xb6: {  	_ =	task.clear_ibuf [dreg:s9], $0x8FFFF;
	_ =	strace $0x90000046  }
0xb7: {  	s29 =	simm.s32 $0x9;
	_ =	strace $0x80000048  }
0xb8: {  	_ =	swait.ge [sflag:s29], $0x1  }
0xb9: {  	[sflag:s29] =	ssyncadd.s32 $0xFFFFFFFF  }
0xba: {  	_ =	strace $0x90000048  }
0xbb: {  	_ =	sfence  }
0xbc: {  	s30 =	sld [smem:$0x0];
	_ =	sdelay $0x2  }
0xbd: {  	s31 =	sshll.u32 s1, $0xD;
	s1 =	sshrl.u32 s1, $0x2  }
0xbe: {  	s3 =	sand.u32 $0x4000, s31;
	s1 =	sadd.s32 s1, s30  }
0xbf: {  	s0 =	sor.u32 s3, s0;
	s1 =	sshll.u32 s1, $0x11  }
0xc0: {  	s0 =	sor.u32 s1, s0  }
0xc1: {  	s0 =	sadd.s32 $0x8F2B, s0  }
0xc2: {  	[sflag:s0] =	ssyncadd.remote.s32 $0x1  }
0xc3: {  	_ =	sfence.sel $0xFFFF  }
0xc4: {  	[dreg:$0x0] =	wrdreg $0xFFFFFFFF;
	(pc) =	sbr.abs _section_cstart, $3  }
0xc5: {  	[dreg:$0x1] =	wrdreg $0xFFFFFFFF  }
0xc6: {  	_ =	task.clear_ibuf [dreg:s9], $0x2FFFF;
	_ =	strace $0x9FFFFFFF  }
0xc7: {  	(tm) =	ssettm $0x7FFFFFFF  }
tec
execute0_lowered:
.L_overlay_start_1:
0x0: {  	(tag) =	ssettag $0x1  }
0x1: {  	s1 =	rddreg [dreg:$0x0]  }
0x2: {  	s2 =	rddreg [dreg:$0x1]  }
0x3: {  	s3 =	rddreg [dreg:$0x2]  }
0x4: {  	s0 =	rddreg [dreg:$0x3]  }
0x5: {  	s5 =	rddreg [dreg:$0x4]  }
0x6: {  	s4 =	srdreg.scid;
	s11 =	stileid.u32  }
0x7: {  	s6 =	simm.s32 $0x0;
	s30 =	simm.s32 $0xA;
	s28 =	simm.s32 $0x8  }
0x8: {  	s4 =	sand.u32 $0x1, s4;
	[smem:$0x7FF] =	sst s6;
	s18 =	smul.u32 $0x50000, s11  }
0x9: {  	s8 =	smul.u32 $0x14000, s11;
	s14 =	ssub.s32 $0x2, s4;
	_ =	strace $0x80000047  }
0xa: {  	s10 =	sshrl.u32 s14, $0x1;
	s21 =	sshrl.u32 s18, $0x2;
	s18 =	simm.s32 $0x400  }
0xb: {  	s15 =	ssub.s32 s14, s10;
	s25 =	sadd.s32 s21, s5;
	[dreg:$0xa] =	wrdreg s18  }
0xc: {  	s9 =	sshll.u32 s11, $0x1;
	s23 =	smax.u32 s15, $0x1;
	[dreg:$0x12] =	wrdreg s25  }
0xd: {  	s11 =	smul.u32 $0x4E20, s11;
	s24 =	sadd.s32 $0x1400, s25;
	[dreg:$0x13] =	wrdreg s23  }
0xe: {  	s9 =	sor.u32 s4, s9;
	s31 =	sadd.s32 $0x2800, s25;
	[dreg:$0x14] =	wrdreg s24  }
0xf: {  	s9 =	smul.u32 $0x2710, s9;
	s13 =	sadd.s32 $0x6400, s25;
	[dreg:$0x15] =	wrdreg s31  }
0x10: {  	s7 =	smul.u32 $0x140000, s4;
	s15 =	sadd.s32 $0x7800, s25;
	[dreg:$0x18] =	wrdreg s13  }
0x11: {  	s16 =	sshrl.u32 s9, $0x3;
	s21 =	sadd.s32 $0xC800, s25;
	[dreg:$0x19] =	wrdreg s15  }
0x12: {  	s4 =	smul.u32 $0x2710, s4;
	s9 =	sadd.s32 s2, s16;
	[dreg:$0x1e] =	wrdreg s21  }
0x13: {  	s29 =	simm.s32 $0x9;
	s12 =	sadd.s32 s3, s16;
	[dreg:$0xb] =	wrdreg s9  }
0x14: {  	s22 =	sadd.s32 s4, s11;
	s23 =	sadd.s32 $0xF000, s25;
	[dreg:$0xc] =	wrdreg s12  }
0x15: {  	s26 =	sadd.s32 $0x190, s22;
	s24 =	sadd.s32 $0x10400, s25;
	[smem:$0x7FA] =	sst s23  }
0x16: {  	s4 =	sshrl.u32 s26, $0x3;
	s26 =	sadd.s32 $0x11800, s25;
	[smem:$0x7FB] =	sst s24  }
0x17: {  	s17 =	sadd.s32 $0xA, s16;
	s31 =	sadd.s32 $0x12C00, s25;
	[smem:$0x7FC] =	sst s26  }
0x18: {  	s7 =	sadd.s32 s8, s7;
	s19 =	sadd.s32 s2, s17;
	[smem:$0x7FD] =	sst s31  }
0x19: {  	s8 =	sadd.s32 $0x14, s16;
	s9 =	sadd.s32 s3, s17;
	[dreg:$0xd] =	wrdreg s19  }
0x1a: {  	s7 =	sshrl.u32 s7, $0x3;
	s20 =	sadd.s32 s2, s8;
	[dreg:$0xe] =	wrdreg s9  }
0x1b: {  	s0 =	sadd.s32 s7, s0;
	s8 =	sadd.s32 s3, s8;
	[dreg:$0xf] =	wrdreg s20  }
0x1c: {  	s18 =	simm.s32 $0x4;
	s0 =	sadd.s32 $0x1E00, s0;
	[dreg:$0x10] =	wrdreg s8  }
0x1d: {  	s11 =	sadd.s32 $0x140, s22;
	s10 =	sadd.s32 s4, s3;
	[dreg:$0x11] =	wrdreg s0  }
0x1e: {  	s13 =	simm.s32 $0x480;
	s4 =	sadd.s32 s4, s2;
	[dreg:$0x6] =	wrdreg s10  }
0x1f: {  	s15 =	simm.s32 $0x2;
	s17 =	sadd.s32 $0x8C00, s25;
	[dreg:$0x7] =	wrdreg s4  }
0x20: {  	s21 =	simm.s32 $0x5480;
	s8 =	sadd.s32 $0x3C00, s25;
	[dreg:$0x1a] =	wrdreg s17  }
0x21: {  	s12 =	sshrl.u32 s11, $0x3;
	s9 =	sadd.s32 $0x5000, s25;
	[dreg:$0x16] =	wrdreg s8  }
0x22: {  	s11 =	simm.s32 $0x200;
	s14 =	sadd.s32 s12, s3;
	[dreg:$0x17] =	wrdreg s9  }
0x23: {  	s23 =	simm.s32 $0x7;
	s16 =	sadd.s32 s12, s2;
	[dreg:$0x8] =	wrdreg s14  }
0x24: {  	s24 =	simm.s32 $0x380;
	s19 =	sadd.s32 $0xA000, s25;
	[dreg:$0x9] =	wrdreg s16  }
0x25: {  	s26 =	simm.s32 $0x6;
	s20 =	sadd.s32 $0xB400, s25;
	[dreg:$0x1b] =	wrdreg s19  }
0x26: {  	s0 =	sadd.s32 $0xF0, s22;
	s22 =	sadd.s32 $0xDC00, s25;
	[dreg:$0x1c] =	wrdreg s20  }
0x27: {  	s10 =	simm.s32 $0x80;
	s12 =	simm.s32 $0x50;
	[dreg:$0x1d] =	wrdreg s0  }
0x28: {  	s17 =	simm.s32 $0x2C80;
	s4 =	simm.s32 $0x0;
	[dreg:$0x1f] =	wrdreg s22  }
0x29: {  	s8 =	simm.s32 $0x180;
	s9 =	simm.s32 $0x1;
	s16 =	simm.s32 $0x100  }
0x2a: {  	v0 =	vimm.f32 $0.0e+00;
	s19 =	simm.s32 $0x300;
	s20 =	simm.s32 $0x3;
	s22 =	simm.s32 $0x5  }
.LBB2_1:
0x2b: {  	s0 =	sand.u32 $0x7E00, s6  }
0x2c: {  	[smem:$0x7F9] =	sst s4;
	s31 =	sand.u32 $0x70, s6;
	s7 =	sshrl.u32 s0, $0x2  }
0x2d: {  	s4 =	simm.s32 $0x0;
	s0 =	simm.s32 $0x40;
	s7 =	sor.u32 s31, s7  }
.LBB2_2:
0x2e: {  	p0 =	sne.s32 s0, $0x4FC0  }
0x2f: {  	[tilespmem:s7+$0x7C80] =	vst v0;
	s4 =	sadd.s32 $0x10, s4;
	s7 =	smov.u32 s0;
	s0 =	sadd.s32 $0x40, s0  }
.Ltmp0:
0x30: {  	(pc) =	sbr.rel @p0 .LBB2_2-.Ltmp0, $4  }
0x31: {  	_ = 	snop  }
0x32: {  	s7 =	sand.u32 $0x7E00, s7  }
0x33: {  	s14 =	sand.u32 $0x70, s4;
	s7 =	sshrl.u32 s7, $0x2  }
0x34: {  	s7 =	sor.u32 s14, s7  }
0x35: {  	[tilespmem:s7+$0x7C80] =	vst v0;
	s4 =	simm.s32 $0x7C80  }
0x36: {  	[spmem:s25] =	stream.linear.scatter [tilespmem:s4], [sflag:$0xA], $0x1400, $0x38;
	[tilespmem:$0x1D080] =	vst v63  }
0x37: {  	_ =	swait.ge [sflag:s30], $0x1400  }
0x38: {  	[sflag:s30] =	ssyncset.done $0x0  }
0x39: {  	s0 =	rddreg [dreg:$0x14];
	[sflag:s30] =	ssyncadd.s32 $0xFFFFEC00  }
0x3a: {  	[spmem:s0] =	stream.linear.scatter [tilespmem:s4], [sflag:$0xA], $0x1400, $0x38;
	[tilespmem:$0x1D080] =	vst v63  }
0x3b: {  	_ =	swait.ge [sflag:s30], $0x1400  }
0x3c: {  	[sflag:s30] =	ssyncset.done $0x0  }
0x3d: {  	s14 =	rddreg [dreg:$0x15];
	[sflag:s30] =	ssyncadd.s32 $0xFFFFEC00  }
0x3e: {  	[spmem:s14] =	stream.linear.scatter [tilespmem:s4], [sflag:$0xA], $0x1400, $0x38;
	[tilespmem:$0x1D080] =	vst v63  }
0x3f: {  	_ =	swait.ge [sflag:s30], $0x1400  }
0x40: {  	[sflag:s30] =	ssyncset.done $0x0  }
0x41: {  	s25 =	rddreg [dreg:$0x16];
	[sflag:s30] =	ssyncadd.s32 $0xFFFFEC00  }
0x42: {  	[spmem:s25] =	stream.linear.scatter [tilespmem:s4], [sflag:$0xA], $0x1400, $0x38;
	[tilespmem:$0x1D080] =	vst v63  }
0x43: {  	_ =	swait.ge [sflag:s30], $0x1400  }
0x44: {  	[sflag:s30] =	ssyncset.done $0x0  }
0x45: {  	s7 =	rddreg [dreg:$0x17];
	[sflag:s30] =	ssyncadd.s32 $0xFFFFEC00  }
0x46: {  	[spmem:s7] =	stream.linear.scatter [tilespmem:s4], [sflag:$0xA], $0x1400, $0x38;
	[tilespmem:$0x1D080] =	vst v63  }
0x47: {  	_ =	swait.ge [sflag:s30], $0x1400  }
0x48: {  	[sflag:s30] =	ssyncset.done $0x0  }
0x49: {  	s14 =	rddreg [dreg:$0x18];
	[sflag:s30] =	ssyncadd.s32 $0xFFFFEC00  }
0x4a: {  	[spmem:s14] =	stream.linear.scatter [tilespmem:s4], [sflag:$0xA], $0x1400, $0x38;
	[tilespmem:$0x1D080] =	vst v63  }
0x4b: {  	_ =	swait.ge [sflag:s30], $0x1400  }
0x4c: {  	[sflag:s30] =	ssyncset.done $0x0  }
0x4d: {  	s25 =	rddreg [dreg:$0x19];
	[sflag:s30] =	ssyncadd.s32 $0xFFFFEC00  }
0x4e: {  	[spmem:s25] =	stream.linear.scatter [tilespmem:s4], [sflag:$0xA], $0x1400, $0x38;
	[tilespmem:$0x1D080] =	vst v63  }
0x4f: {  	_ =	swait.ge [sflag:s30], $0x1400  }
0x50: {  	[sflag:s30] =	ssyncset.done $0x0  }
0x51: {  	s7 =	rddreg [dreg:$0x1a];
	[sflag:s30] =	ssyncadd.s32 $0xFFFFEC00  }
0x52: {  	[spmem:s7] =	stream.linear.scatter [tilespmem:s4], [sflag:$0xA], $0x1400, $0x38;
	[tilespmem:$0x1D080] =	vst v63  }
0x53: {  	_ =	swait.ge [sflag:s30], $0x1400  }
0x54: {  	[sflag:s30] =	ssyncset.done $0x0  }
0x55: {  	s14 =	rddreg [dreg:$0x1b];
	[sflag:s30] =	ssyncadd.s32 $0xFFFFEC00  }
0x56: {  	[spmem:s14] =	stream.linear.scatter [tilespmem:s4], [sflag:$0xA], $0x1400, $0x38;
	[tilespmem:$0x1D080] =	vst v63  }
0x57: {  	_ =	swait.ge [sflag:s30], $0x1400  }
0x58: {  	[sflag:s30] =	ssyncset.done $0x0  }
0x59: {  	s25 =	rddreg [dreg:$0x1c];
	[sflag:s30] =	ssyncadd.s32 $0xFFFFEC00  }
0x5a: {  	[spmem:s25] =	stream.linear.scatter [tilespmem:s4], [sflag:$0xA], $0x1400, $0x38;
	[tilespmem:$0x1D080] =	vst v63  }
0x5b: {  	_ =	swait.ge [sflag:s30], $0x1400  }
0x5c: {  	[sflag:s30] =	ssyncset.done $0x0  }
0x5d: {  	s7 =	rddreg [dreg:$0x1e];
	[sflag:s30] =	ssyncadd.s32 $0xFFFFEC00  }
0x5e: {  	[spmem:s7] =	stream.linear.scatter [tilespmem:s4], [sflag:$0xA], $0x1400, $0x38;
	[tilespmem:$0x1D080] =	vst v63  }
0x5f: {  	_ =	swait.ge [sflag:s30], $0x1400  }
0x60: {  	[sflag:s30] =	ssyncset.done $0x0  }
0x61: {  	s14 =	rddreg [dreg:$0x1f];
	[sflag:s30] =	ssyncadd.s32 $0xFFFFEC00  }
0x62: {  	[spmem:s14] =	stream.linear.scatter [tilespmem:s4], [sflag:$0xA], $0x1400, $0x38;
	[tilespmem:$0x1D080] =	vst v63  }
0x63: {  	_ =	swait.ge [sflag:s30], $0x1400  }
0x64: {  	s25 =	sld [smem:$0x7FA]  }
0x65: {  	[sflag:s30] =	ssyncset.done $0x0  }
0x66: {  	[sflag:s30] =	ssyncadd.s32 $0xFFFFEC00  }
0x67: {  	[spmem:s25] =	stream.linear.scatter [tilespmem:s4], [sflag:$0xA], $0x1400, $0x38;
	[tilespmem:$0x1D080] =	vst v63  }
0x68: {  	_ =	swait.ge [sflag:s30], $0x1400  }
0x69: {  	s7 =	sld [smem:$0x7FB]  }
0x6a: {  	[sflag:s30] =	ssyncset.done $0x0  }
0x6b: {  	[sflag:s30] =	ssyncadd.s32 $0xFFFFEC00  }
0x6c: {  	[spmem:s7] =	stream.linear.scatter [tilespmem:s4], [sflag:$0xA], $0x1400, $0x38;
	[tilespmem:$0x1D080] =	vst v63  }
0x6d: {  	_ =	swait.ge [sflag:s30], $0x1400  }
0x6e: {  	s14 =	sld [smem:$0x7FC]  }
0x6f: {  	[sflag:s30] =	ssyncset.done $0x0  }
0x70: {  	[sflag:s30] =	ssyncadd.s32 $0xFFFFEC00  }
0x71: {  	[spmem:s14] =	stream.linear.scatter [tilespmem:s4], [sflag:$0xA], $0x1400, $0x38;
	[tilespmem:$0x1D080] =	vst v63  }
0x72: {  	_ =	swait.ge [sflag:s30], $0x1400  }
0x73: {  	s25 =	sld [smem:$0x7FD]  }
0x74: {  	[sflag:s30] =	ssyncset.done $0x0  }
0x75: {  	[sflag:s30] =	ssyncadd.s32 $0xFFFFEC00  }
0x76: {  	[spmem:s25] =	stream.linear.scatter [tilespmem:s4], [sflag:$0xA], $0x1400, $0x38;
	[tilespmem:$0x1D080] =	vst v63  }
0x77: {  	_ =	swait.ge [sflag:s30], $0x1400  }
0x78: {  	[sflag:s30] =	ssyncset.done $0x0  }
0x79: {  	[sflag:s30] =	ssyncadd.s32 $0xFFFFEC00  }
0x7a: {  	[bflag:$0x0] =	sbarrier.arrive $0xFFFF  }
0x7b: {  	s31 =	simm.s32 $0x0;
	s4 =	rddreg [dreg:$0xb]  }
0x7c: {  	[tilespmem:s31], [sflag:$0x1] =	stream.linear.gather [hbm4b:s4+s31], $0x50, $0x38;
	[tilespmem:$0x1D080] =	vst v63  }
0x7d: {  	s7 =	rddreg [dreg:$0xc]  }
0x7e: {  	[tilespmem:s8], [sflag:$0x1] =	stream.linear.gather [hbm4b:s7+s31], $0x50, $0x38;
	[tilespmem:$0x1D080] =	vst v63  }
0x7f: {  	_ =	swait.ge [sflag:s9], $0x50  }
0x80: {  	[sflag:s9] =	ssyncset.done $0x0  }
0x81: {  	[sflag:s9] =	ssyncadd.s32 $0xFFFFFFB0  }
0x82: {  	_ =	swait.ge [sflag:s9], $0x50  }
0x83: {  	[sflag:s9] =	ssyncset.done $0x0  }
0x84: {  	s14 =	rddreg [dreg:$0xd];
	[sflag:s9] =	ssyncadd.s32 $0xFFFFFFB0  }
0x85: {  	[tilespmem:s10], [sflag:$0x2] =	stream.linear.gather [hbm4b:s14+s31], $0x50, $0x38;
	[tilespmem:$0x1D080] =	vst v63  }
0x86: {  	s25 =	rddreg [dreg:$0xe]  }
0x87: {  	[tilespmem:s11], [sflag:$0x2] =	stream.linear.gather [hbm4b:s25+s31], $0x50, $0x38;
	[tilespmem:$0x1D080] =	vst v63  }
0x88: {  	_ = 	snop  }
0x89: {  	[tilespmem:s13], [sflag:$0x4] =	stream.indirect.gather [hbm4b:s1+s12], $0x80, s31, s12, $0xb8;
	[tilespmem:$0x1D080] =	vst v63  }
0x8a: {  	_ =	swait.ge [sflag:s15], $0x50  }
0x8b: {  	[sflag:s15] =	ssyncset.done $0x0  }
0x8c: {  	[sflag:s15] =	ssyncadd.s32 $0xFFFFFFB0  }
0x8d: {  	_ =	swait.ge [sflag:s15], $0x50  }
0x8e: {  	[sflag:s15] =	ssyncset.done $0x0  }
0x8f: {  	s4 =	rddreg [dreg:$0xf];
	[sflag:s15] =	ssyncadd.s32 $0xFFFFFFB0  }
0x90: {  	[tilespmem:s16], [sflag:$0x3] =	stream.linear.gather [hbm4b:s4+s31], $0x50, $0x38;
	[tilespmem:$0x1D080] =	vst v63  }
0x91: {  	s14 =	simm.s32 $0x280;
	s7 =	rddreg [dreg:$0x10]  }
0x92: {  	[tilespmem:s14], [sflag:$0x3] =	stream.linear.gather [hbm4b:s7+s31], $0x50, $0x38;
	[tilespmem:$0x1D080] =	vst v63  }
0x93: {  	_ = 	snop  }
0x94: {  	[tilespmem:s17], [sflag:$0x5] =	stream.indirect.gather [hbm4b:s1+s12], $0x80, s10, s12, $0xb8;
	[tilespmem:$0x1D080] =	vst v63  }
0x95: {  	_ =	swait.ge [sflag:s18], $0x2800  }
0x96: {  	[sflag:s18] =	ssyncset.done $0x0  }
0x97: {  	[sflag:s18] =	ssyncadd.s32 $0xFFFFD800  }
0x98: {  	v1 =	vld [tilespmem:$0x180]  }
0x99: {  	v2 =	vld [tilespmem:$0x190]  }
0x9a: {  	v3 =	vld [tilespmem:$0x1A0]  }
0x9b: {  	v4 =	vld [tilespmem:$0x1B0]  }
0x9c: {  	v5 =	vld [tilespmem:$0x1C0]  }
0x9d: {  	[tilespmem:$0x300] =	vst v1  }
0x9e: {  	[tilespmem:$0x310] =	vst v2  }
0x9f: {  	[tilespmem:$0x320] =	vst v3  }
0xa0: {  	[tilespmem:$0x330] =	vst v4  }
0xa1: {  	[tilespmem:$0x340] =	vst v5  }
0xa2: {  	[spmem:s5] =	stream.indirect.scatter.add.f32 [tilespmem:s13], [sflag:$0x7], $0x80, s19, s12, $0xb8;
	[tilespmem:$0x1D080] =	vst v63  }
0xa3: {  	_ =	swait.ge [sflag:s20], $0x50  }
0xa4: {  	[sflag:s20] =	ssyncset.done $0x0  }
0xa5: {  	[sflag:s20] =	ssyncadd.s32 $0xFFFFFFB0  }
0xa6: {  	_ =	swait.ge [sflag:s20], $0x50  }
0xa7: {  	s25 =	rddreg [dreg:$0x1d]  }
0xa8: {  	[sflag:s20] =	ssyncset.done $0x0;
	s19 =	sshrl.u32 s25, $0x3  }
0xa9: {  	[sflag:s20] =	ssyncadd.s32 $0xFFFFFFB0;
	s7 =	sadd.s32 s2, s19  }
0xaa: {  	[tilespmem:s6], [sflag:$0x1] =	stream.linear.gather [hbm4b:s7+s6], $0x50, $0x38;
	[tilespmem:$0x1D080] =	vst v63  }
0xab: {  	s0 =	sadd.s32 s3, s19  }
0xac: {  	[tilespmem:s8], [sflag:$0x1] =	stream.linear.gather [hbm4b:s0+s6], $0x50, $0x38;
	[tilespmem:$0x1D080] =	vst v63  }
0xad: {  	_ = 	snop  }
0xae: {  	[tilespmem:s21], [sflag:$0x6] =	stream.indirect.gather [hbm4b:s1+s12], $0x80, s16, s12, $0xb8;
	[tilespmem:$0x1D080] =	vst v63  }
0xaf: {  	_ =	swait.ge [sflag:s22], $0x2800  }
0xb0: {  	[sflag:s22] =	ssyncset.done $0x0  }
0xb1: {  	[sflag:s22] =	ssyncadd.s32 $0xFFFFD800  }
0xb2: {  	_ =	swait.ge [sflag:s23], $0x2800  }
0xb3: {  	[sflag:s23] =	ssyncset.done $0x0  }
0xb4: {  	[sflag:s23] =	ssyncadd.s32 $0xFFFFD800  }
0xb5: {  	v1 =	vld [tilespmem:$0x240]  }
0xb6: {  	v2 =	vld [tilespmem:$0x230]  }
0xb7: {  	v3 =	vld [tilespmem:$0x200]  }
0xb8: {  	v60 =	vld [tilespmem:$0x220]  }
0xb9: {  	v61 =	vld [tilespmem:$0x210]  }
0xba: {  	[tilespmem:$0x3C0] =	vst v1  }
0xbb: {  	[tilespmem:$0x3B0] =	vst v2  }
0xbc: {  	[tilespmem:$0x380] =	vst v3  }
0xbd: {  	[tilespmem:$0x3A0] =	vst v60  }
0xbe: {  	[tilespmem:$0x390] =	vst v61  }
0xbf: {  	[spmem:s5] =	stream.indirect.scatter.add.f32 [tilespmem:s17], [sflag:$0x8], $0x80, s24, s12, $0xb8;
	[tilespmem:$0x1D080] =	vst v63  }
0xc0: {  	_ =	swait.ge [sflag:s9], $0x50  }
0xc1: {  	[sflag:s9] =	ssyncset.done $0x0  }
0xc2: {  	[sflag:s9] =	ssyncadd.s32 $0xFFFFFFB0  }
0xc3: {  	_ =	swait.ge [sflag:s9], $0x50  }
0xc4: {  	s14 =	rddreg [dreg:$0x9];
	[sflag:s9] =	ssyncset.done $0x0  }
0xc5: {  	s16 =	rddreg [dreg:$0x8];
	[sflag:s9] =	ssyncadd.s32 $0xFFFFFFB0;
	s0 =	sadd.s32 $0x0, s14  }
0xc6: {  	[tilespmem:s10], [sflag:$0x2] =	stream.linear.gather [hbm4b:s0+s6], $0x50, $0x38;
	[tilespmem:$0x1D080] =	vst v63  }
0xc7: {  	s19 =	sadd.s32 $0x0, s16  }
0xc8: {  	[tilespmem:s11], [sflag:$0x2] =	stream.linear.gather [hbm4b:s19+s6], $0x50, $0x38;
	[tilespmem:$0x1D080] =	vst v63  }
0xc9: {  	_ = 	snop  }
0xca: {  	[tilespmem:s13], [sflag:$0x4] =	stream.indirect.gather [hbm4b:s1+s12], $0x80, s6, s12, $0xb8;
	[tilespmem:$0x1D080] =	vst v63  }
0xcb: {  	_ =	swait.ge [sflag:s26], $0x2800  }
0xcc: {  	[sflag:s26] =	ssyncset.done $0x0  }
0xcd: {  	[sflag:s26] =	ssyncadd.s32 $0xFFFFD800  }
0xce: {  	_ =	swait.ge [sflag:s28], $0x2800  }
0xcf: {  	[sflag:s28] =	ssyncset.done $0x0  }
0xd0: {  	[sflag:s28] =	ssyncadd.s32 $0xFFFFD800  }
0xd1: {  	v1 =	vld [tilespmem:$0x280]  }
0xd2: {  	v2 =	vld [tilespmem:$0x290]  }
0xd3: {  	v3 =	vld [tilespmem:$0x2A0]  }
0xd4: {  	v62 =	vld [tilespmem:$0x2C0]  }
0xd5: {  	v63 =	vld [tilespmem:$0x2B0]  }
0xd6: {  	[tilespmem:$0x400] =	vst v1  }
0xd7: {  	[tilespmem:$0x410] =	vst v2  }
0xd8: {  	[tilespmem:$0x420] =	vst v3  }
0xd9: {  	[tilespmem:$0x440] =	vst v62  }
0xda: {  	p0 =	por $0x0, $0x0;
	s24 =	rddreg [dreg:$0xa];
	[tilespmem:$0x430] =	vst v63  }
0xdb: {  	[spmem:s5] =	stream.indirect.scatter.add.f32 [tilespmem:s21], [sflag:$0x9], $0x80, s24, s12, $0xb8;
	[tilespmem:$0x1D080] =	vst v63  }
0xdc: {  	p0 =	por p0, p0;
	_ =	swait.ge [sflag:s15], $0x50  }
0xdd: {  	s7 =	simm.s32 @!p0 $0x100;
	s8 =	smov.u32 s3;
	[sflag:s15] =	ssyncset.done $0x0  }
0xde: {  	s3 =	smov.u32 s2;
	s14 =	simm.s32 @!p0 $0x0;
	[sflag:s15] =	ssyncadd.s32 $0xFFFFFFB0  }
0xdf: {  	s16 =	simm.s32 $0x200;
	s0 =	simm.s32 $0x1E;
	_ =	swait.ge [sflag:s15], $0x50  }
0xe0: {  	s19 =	simm.s32 $0x100;
	s11 =	simm.s32 $0x180;
	s30 =	rddreg [dreg:$0x7]  }
0xe1: {  	s24 =	simm.s32 $0x300;
	[sflag:s15] =	ssyncset.done $0x0;
	s4 =	rddreg [dreg:$0x6]  }
.LBB2_4:
0xe2: {  	[sflag:s15] =	ssyncadd.s32 $0xFFFFFFB0;
	s30 =	sadd.s32 @!p0 s31, s30  }
0xe3: {  	[tilespmem:s7], [sflag:$0x3] =	stream.linear.gather @!p0 [hbm4b:s30+s14], $0x50, $0x38;
	[tilespmem:$0x1D080] =	vst v63  }
0xe4: {  	s4 =	sadd.s32 @!p0 s31, s4;
	s7 =	simm.s32 @!p0 $0x280  }
0xe5: {  	[tilespmem:s7], [sflag:$0x3] =	stream.linear.gather @!p0 [hbm4b:s4+s14], $0x50, $0x38;
	[tilespmem:$0x1D080] =	vst v63  }
0xe6: {  	_ = 	snop  }
0xe7: {  	[tilespmem:s17], [sflag:$0x5] =	stream.indirect.gather [hbm4b:s1+s12], $0x80, s10, s12, $0xb8;
	[tilespmem:$0x1D080] =	vst v63  }
0xe8: {  	_ =	swait.ge [sflag:s18], $0x2800  }
0xe9: {  	[sflag:s18] =	ssyncset.done $0x0  }
0xea: {  	[sflag:s18] =	ssyncadd.s32 $0xFFFFD800  }
0xeb: {  	_ =	swait.ge [sflag:s29], $0x2800  }
0xec: {  	[sflag:s29] =	ssyncset.done $0x0  }
0xed: {  	[sflag:s29] =	ssyncadd.s32 $0xFFFFD800  }
0xee: {  	v1 =	vld [tilespmem:$0x180]  }
0xef: {  	v2 =	vld [tilespmem:$0x190]  }
0xf0: {  	v3 =	vld [tilespmem:$0x1A0]  }
0xf1: {  	v4 =	vld [tilespmem:$0x1B0]  }
0xf2: {  	v5 =	vld [tilespmem:$0x1C0]  }
0xf3: {  	[tilespmem:$0x300] =	vst v1  }
0xf4: {  	[tilespmem:$0x310] =	vst v2  }
0xf5: {  	[tilespmem:$0x320] =	vst v3  }
0xf6: {  	[tilespmem:$0x330] =	vst v4  }
0xf7: {  	[tilespmem:$0x340] =	vst v5  }
0xf8: {  	[spmem:s5] =	stream.indirect.scatter.add.f32 [tilespmem:s13], [sflag:$0x7], $0x80, s24, s12, $0xb8;
	[tilespmem:$0x1D080] =	vst v63  }
0xf9: {  	_ =	swait.ge [sflag:s20], $0x50  }
0xfa: {  	[sflag:s20] =	ssyncset.done $0x0  }
0xfb: {  	[sflag:s20] =	ssyncadd.s32 $0xFFFFFFB0  }
0xfc: {  	s25 =	sadd.s32 $0xF0, s25;
	_ =	swait.ge [sflag:s20], $0x50  }
0xfd: {  	s7 =	sshrl.u32 s25, $0x3;
	[sflag:s20] =	ssyncset.done $0x0  }
0xfe: {  	s2 =	smov.u32 s0;
	s14 =	sadd.s32 s3, s7;
	[sflag:s20] =	ssyncadd.s32 $0xFFFFFFB0  }
0xff: {  	[tilespmem:s6], [sflag:$0x1] =	stream.linear.gather [hbm4b:s14+s6], $0x50, $0x38;
	[tilespmem:$0x1D080] =	vst v63  }
0x100: {  	s31 =	smov.u32 s2;
	s2 =	sadd.s32 s8, s7  }
0x101: {  	[tilespmem:s11], [sflag:$0x1] =	stream.linear.gather [hbm4b:s2+s6], $0x50, $0x38;
	[tilespmem:$0x1D080] =	vst v63  }
0x102: {  	_ = 	snop  }
0x103: {  	[tilespmem:s21], [sflag:$0x6] =	stream.indirect.gather [hbm4b:s1+s12], $0x80, s19, s12, $0xb8;
	[tilespmem:$0x1D080] =	vst v63  }
0x104: {  	_ =	swait.ge [sflag:s22], $0x2800  }
0x105: {  	[sflag:s22] =	ssyncset.done $0x0  }
0x106: {  	[sflag:s22] =	ssyncadd.s32 $0xFFFFD800  }
0x107: {  	_ =	swait.ge [sflag:s23], $0x2800  }
0x108: {  	[sflag:s23] =	ssyncset.done $0x0  }
0x109: {  	[sflag:s23] =	ssyncadd.s32 $0xFFFFD800  }
0x10a: {  	v1 =	vld [tilespmem:$0x240]  }
0x10b: {  	v2 =	vld [tilespmem:$0x230]  }
0x10c: {  	v3 =	vld [tilespmem:$0x200]  }
0x10d: {  	v60 =	vld [tilespmem:$0x220]  }
0x10e: {  	v61 =	vld [tilespmem:$0x210]  }
0x10f: {  	[tilespmem:$0x3C0] =	vst v1  }
0x110: {  	[tilespmem:$0x3B0] =	vst v2  }
0x111: {  	[tilespmem:$0x380] =	vst v3  }
0x112: {  	[tilespmem:$0x3A0] =	vst v60  }
0x113: {  	s4 =	simm.s32 $0x380;
	[tilespmem:$0x390] =	vst v61  }
0x114: {  	[spmem:s5] =	stream.indirect.scatter.add.f32 [tilespmem:s17], [sflag:$0x8], $0x80, s4, s12, $0xb8;
	[tilespmem:$0x1D080] =	vst v63  }
0x115: {  	_ =	swait.ge [sflag:s9], $0x50  }
0x116: {  	[sflag:s9] =	ssyncset.done $0x0  }
0x117: {  	[sflag:s9] =	ssyncadd.s32 $0xFFFFFFB0  }
0x118: {  	_ =	swait.ge [sflag:s9], $0x50  }
0x119: {  	s7 =	rddreg [dreg:$0x9];
	[sflag:s9] =	ssyncset.done $0x0  }
0x11a: {  	s14 =	rddreg [dreg:$0x8];
	[sflag:s9] =	ssyncadd.s32 $0xFFFFFFB0;
	s2 =	sadd.s32 s31, s7  }
0x11b: {  	[tilespmem:s10], [sflag:$0x2] =	stream.linear.gather [hbm4b:s2+s6], $0x50, $0x38;
	[tilespmem:$0x1D080] =	vst v63  }
0x11c: {  	s7 =	sadd.s32 s31, s14  }
0x11d: {  	[tilespmem:s16], [sflag:$0x2] =	stream.linear.gather [hbm4b:s7+s6], $0x50, $0x38;
	[tilespmem:$0x1D080] =	vst v63  }
0x11e: {  	_ = 	snop  }
0x11f: {  	[tilespmem:s13], [sflag:$0x4] =	stream.indirect.gather [hbm4b:s1+s12], $0x80, s6, s12, $0xb8;
	[tilespmem:$0x1D080] =	vst v63  }
0x120: {  	_ =	swait.ge [sflag:s26], $0x2800  }
0x121: {  	[sflag:s26] =	ssyncset.done $0x0  }
0x122: {  	[sflag:s26] =	ssyncadd.s32 $0xFFFFD800  }
0x123: {  	_ =	swait.ge [sflag:s28], $0x2800  }
0x124: {  	[sflag:s28] =	ssyncset.done $0x0  }
0x125: {  	[sflag:s28] =	ssyncadd.s32 $0xFFFFD800  }
0x126: {  	v1 =	vld [tilespmem:$0x280]  }
0x127: {  	v2 =	vld [tilespmem:$0x290]  }
0x128: {  	v3 =	vld [tilespmem:$0x2A0]  }
0x129: {  	v62 =	vld [tilespmem:$0x2C0]  }
0x12a: {  	v63 =	vld [tilespmem:$0x2B0]  }
0x12b: {  	[tilespmem:$0x400] =	vst v1  }
0x12c: {  	[tilespmem:$0x410] =	vst v2  }
0x12d: {  	[tilespmem:$0x420] =	vst v3  }
0x12e: {  	[tilespmem:$0x440] =	vst v62  }
0x12f: {  	p2 =	seq.s32 s0, $0x4B0;
	s0 =	sadd.s32 $0x1E, s0;
	s14 =	rddreg [dreg:$0xa];
	[tilespmem:$0x430] =	vst v63  }
0x130: {  	[spmem:s5] =	stream.indirect.scatter.add.f32 [tilespmem:s21], [sflag:$0x9], $0x80, s14, s12, $0xb8;
	[tilespmem:$0x1D080] =	vst v63  }
0x131: {  	p1 =	sne.s32 s0, $0x4CE;
	_ =	swait.ge [sflag:s15], $0x50  }
.Ltmp1:
0x132: {  	[sflag:s15] =	ssyncset.done $0x0;
	(pc) =	sbr.rel @p1 .LBB2_4-.Ltmp1, $4  }
0x133: {  	[sflag:s15] =	ssyncadd.s32 $0xFFFFFFB0  }
0x134: {  	p0 =	por p2, p2;
	_ =	swait.ge [sflag:s15], $0x50  }
0x135: {  	s7 =	simm.s32 @!p0 $0x100;
	s30 =	rddreg [dreg:$0x7]  }
0x136: {  	s14 =	simm.s32 @!p0 $0x0;
	[sflag:s15] =	ssyncset.done $0x0;
	s4 =	rddreg [dreg:$0x6]  }
0x137: {  	[sflag:s15] =	ssyncadd.s32 $0xFFFFFFB0;
	s0 =	sadd.s32 @!p0 s31, s30  }
0x138: {  	[tilespmem:s7], [sflag:$0x3] =	stream.linear.gather @!p0 [hbm4b:s0+s14], $0x50, $0x38;
	[tilespmem:$0x1D080] =	vst v63  }
0x139: {  	s2 =	simm.s32 @!p0 $0x280;
	s0 =	sadd.s32 @!p0 s31, s4  }
0x13a: {  	[tilespmem:s2], [sflag:$0x3] =	stream.linear.gather @!p0 [hbm4b:s0+s14], $0x50, $0x38;
	[tilespmem:$0x1D080] =	vst v63  }
0x13b: {  	_ = 	snop  }
0x13c: {  	[tilespmem:s17], [sflag:$0x5] =	stream.indirect.gather [hbm4b:s1+s12], $0x80, s10, s12, $0xb8;
	[tilespmem:$0x1D080] =	vst v63  }
0x13d: {  	_ =	swait.ge [sflag:s18], $0x2800  }
0x13e: {  	[sflag:s18] =	ssyncset.done $0x0  }
0x13f: {  	[sflag:s18] =	ssyncadd.s32 $0xFFFFD800  }
0x140: {  	_ =	swait.ge [sflag:s29], $0x2800  }
0x141: {  	[sflag:s29] =	ssyncset.done $0x0  }
0x142: {  	[sflag:s29] =	ssyncadd.s32 $0xFFFFD800  }
0x143: {  	v1 =	vld [tilespmem:$0x180]  }
0x144: {  	v2 =	vld [tilespmem:$0x190]  }
0x145: {  	v3 =	vld [tilespmem:$0x1A0]  }
0x146: {  	v4 =	vld [tilespmem:$0x1B0]  }
0x147: {  	v5 =	vld [tilespmem:$0x1C0]  }
0x148: {  	[tilespmem:$0x300] =	vst v1  }
0x149: {  	[tilespmem:$0x310] =	vst v2  }
0x14a: {  	[tilespmem:$0x320] =	vst v3  }
0x14b: {  	[tilespmem:$0x330] =	vst v4  }
0x14c: {  	[tilespmem:$0x340] =	vst v5  }
0x14d: {  	[spmem:s5] =	stream.indirect.scatter.add.f32 [tilespmem:s13], [sflag:$0x7], $0x80, s24, s12, $0xb8;
	[tilespmem:$0x1D080] =	vst v63  }
0x14e: {  	_ =	swait.ge [sflag:s22], $0x2800  }
0x14f: {  	[sflag:s22] =	ssyncset.done $0x0  }
0x150: {  	[sflag:s22] =	ssyncadd.s32 $0xFFFFD800  }
0x151: {  	_ =	swait.ge [sflag:s23], $0x2800  }
0x152: {  	[sflag:s23] =	ssyncset.done $0x0  }
0x153: {  	[sflag:s23] =	ssyncadd.s32 $0xFFFFD800  }
0x154: {  	v1 =	vld [tilespmem:$0x200]  }
0x155: {  	v2 =	vld [tilespmem:$0x210]  }
0x156: {  	v3 =	vld [tilespmem:$0x220]  }
0x157: {  	v62 =	vld [tilespmem:$0x230]  }
0x158: {  	v63 =	vld [tilespmem:$0x240]  }
0x159: {  	[tilespmem:$0x380] =	vst v1  }
0x15a: {  	[tilespmem:$0x390] =	vst v2  }
0x15b: {  	[tilespmem:$0x3A0] =	vst v3  }
0x15c: {  	[tilespmem:$0x3B0] =	vst v62  }
0x15d: {  	s11 =	simm.s32 $0x380;
	[tilespmem:$0x3C0] =	vst v63  }
0x15e: {  	[spmem:s5] =	stream.indirect.scatter.add.f32 [tilespmem:s17], [sflag:$0x8], $0x80, s11, s12, $0xb8;
	[tilespmem:$0x1D080] =	vst v63  }
0x15f: {  	_ =	swait.ge [sflag:s28], $0x2800  }
0x160: {  	[sflag:s28] =	ssyncset.done $0x0  }
0x161: {  	[sflag:s28] =	ssyncadd.s32 $0xFFFFD800  }
0x162: {  	s14 =	stileid.u32;
	[bflag:$0x0] =	sbarrier.arrive $0xFFFF  }
0x163: {  	s30 =	simm.s32 $0xA;
	s0 =	sshll.u32 s14, $0x6;
	s25 =	rddreg [dreg:$0x12]  }
0x164: {  	s0 =	sor.u32 $0x1C0A, s0;
	s19 =	rddreg [dreg:$0x11];
	s16 =	sshrl.u32 s25, $0x3  }
0x165: {  	[hbm:s19], [sflag:s0] =	dma.local [spmem:s16], $0x2800  }
0x166: {  	_ =	swait.ge [sflag:s30], $0x2800  }
0x167: {  	s24 =	sld [smem:$0x7F9];
	_ =	sdelay $0x2  }
0x168: {  	s31 =	rddreg [dreg:$0x13];
	s4 =	sadd.s32 $0x1, s24  }
0x169: {  	p0 =	sne.s32 s4, s31  }
.Ltmp2:
0x16a: {  	_ = 	snop;
	(pc) =	sbr.rel @p0 .LBB2_1-.Ltmp2, $4  }
0x16b: {  	_ = 	snop  }
0x16c: {  	s2 =	smov.u32 s3;
	s3 =	smov.u32 s8;
	s8 =	simm.s32 $0x180  }
0x16d: {  	s11 =	simm.s32 $0x200;
	s16 =	simm.s32 $0x100;
	[sflag:s30] =	ssyncset.done $0x0  }
0x16e: {  	s19 =	simm.s32 $0x300;
	[sflag:s30] =	ssyncadd.s32 $0xFFFFD800;
	s24 =	simm.s32 $0x380  }
0x16f: {  	_ =	sfence.sel $0x180000  }
0x170: {  	[bflag:$0x0] =	sbarrier.arrive $0xFFFF  }
0x171: {  	_ =	strace $0x90000047  }
0x172: {  	s0 =	stileid.u32;
	[bflag:$0x2] =	sbarrier.arrive $0xFFFF  }
0x173: {  	p0 =	sne.s32 s0, $0x0;
	s0 =	rddreg [dreg:$0x5]  }
0x174: {  	s0 =	sadd.s32 @!p0 $0x100000, s0  }
0x175: {  	[sflag:s0] =	ssyncadd.tile.s32 @!p0 $0x1;
	_ =	shalt  }
.Lfunc_end2:
_tile_overlayer_lowered:
.L_overlay_start_2:
0x176: {  	(tag) =	ssettag $0x2  }
0x177: {  	s0 =	rddreg [dreg:$0x0];
	s2 =	stileid.u32  }
0x178: {  	s1 =	rddreg [dreg:$0x1];
	p0 =	sne.s32 s2, $0x0  }
0x179: {  	s3 =	rddreg [dreg:$0x2];
	[bflag:$0x3] =	sbarrier.arrive $0xFFFF;
	s2 =	simm.s32 @!p0 $0x1C0A  }
0x17a: {  	[timem:s3], [sflag:s2] =	dma.local @!p0 [hbm:s0], s1  }
0x17b: {  	s0 =	simm.s32 @!p0 $0xA  }
0x17c: {  	_ =	swait.ge @!p0 [sflag:s0], s1  }
0x17d: {  	s1 =	ssub.s32 @!p0 $0x0, s1;
	[sflag:s0] =	ssyncset.done @!p0 $0x0  }
0x17e: {  	[sflag:s0] =	ssyncadd.s32 @!p0 s1  }
0x17f: {  	[bflag:$0x3] =	sbarrier.arrive $0xFFFF  }
0x180: {  	_ =	shalt  }

</sc_bundles>
